<compile_context>
chip_gen: v7x
topology: tpu7x:2x2x1
jax: 0.10.2.dev20260603
libtpu: 0.0.44.dev20260713+nightly
codegen_flags: <defaults>
</compile_context>

<pallas_src>
import functools

import jax
import jax.numpy as jnp
from jax import lax
from jax.experimental import pallas as pl
from jax.experimental.pallas import tpu as pltpu
from jax.experimental.pallas import tpu_sc as plsc

_N = 10000
_E = 160000
_D = 256
_NW = 32
_K = 128
_CH = 40
_CHS = 80
_EPAD = _NW * _CH * _K
_N2 = 10240
_NP = _N2 + 8
_RPT = _N2 // 16


_KS = 64
_CHT = _EPAD // (16 * _KS)
_RPT8 = _N2 // 16


@functools.partial(
    pl.kernel,
    out_type=jax.ShapeDtypeStruct((2, _N2, 128), jnp.float32),
    mesh=plsc.VectorSubcoreMesh(core_axis_name="c", subcore_axis_name="s"),
    scratch_types=[
        pltpu.VMEM_SHARED((_NP, 128), jnp.float32),
        pltpu.VMEM((2, _KS), jnp.int32),
        pltpu.VMEM((2, _KS), jnp.int32),
        pltpu.VMEM((2 * _KS, 128), jnp.float32),
        pltpu.SemaphoreType.DMA,
        pltpu.SemaphoreType.DMA,
    ],
)
def _sc_segsum(feat2, srcs01, dsts, summ_out,
               acc, dst_v, idx_v, rows_v, sem0, sem1):
    c = lax.axis_index("c")
    s = lax.axis_index("s")

    zeros16 = jnp.zeros((16,), jnp.float32)

    def fill_row(r, _):
        def fill_piece(k, _):
            rows_v[r, pl.ds(k * 16, 16)] = zeros16
            return 0
        lax.fori_loop(0, 8, fill_piece, 0)
        return 0
    lax.fori_loop(0, _KS, fill_row, 0)

    base = s * _RPT8

    def zero_acc(k, _):
        pltpu.sync_copy(rows_v.at[pl.ds(0, _KS)],
                        acc.at[pl.ds(base + k * _KS, _KS)])
        return 0
    lax.fori_loop(0, _RPT8 // _KS, zero_acc, 0)
    plsc.subcore_barrier()

    sems = (sem0, sem1)

    def start(t, slot):
        pltpu.sync_copy(srcs01.at[c, s, pl.ds(t, 1)],
                        idx_v.at[pl.ds(slot, 1)])
        pltpu.sync_copy(dsts.at[s, pl.ds(t, 1)],
                        dst_v.at[pl.ds(slot, 1)])
        pltpu.async_copy(feat2.at[idx_v.at[slot]],
                         rows_v.at[pl.ds(slot * _KS, _KS)], sems[slot])

    def drain_scatter(slot):
        pltpu.make_async_copy(feat2.at[pl.ds(0, _KS)],
                              rows_v.at[pl.ds(slot * _KS, _KS)],
                              sems[slot]).wait()
        pltpu.sync_copy(rows_v.at[pl.ds(slot * _KS, _KS)],
                        acc.at[dst_v.at[slot]], add=True)

    start(0, 0)

    def pair(t, _):
        start(2 * t + 1, 1)
        drain_scatter(0)

        @pl.when(t + 1 < _CHT // 2)
        def _():
            start(2 * t + 2, 0)

        drain_scatter(1)
        return 0
    lax.fori_loop(0, _CHT // 2, pair, 0)

    plsc.subcore_barrier()

    def wb(k, _):
        sl = pl.ds(base + k * _KS, _KS)
        pltpu.sync_copy(acc.at[sl], rows_v.at[pl.ds(0, _KS)])
        pltpu.sync_copy(rows_v.at[pl.ds(0, _KS)], summ_out.at[c, sl])
        return 0
    lax.fori_loop(0, _RPT8 // _KS, wb, 0)


@functools.partial(
    pl.kernel,
    out_type=jax.ShapeDtypeStruct((2, _N2, 128), jnp.float32),
    mesh=plsc.VectorSubcoreMesh(core_axis_name="c", subcore_axis_name="s"),
    scratch_types=[
        pltpu.VMEM_SHARED((_NP, 128), jnp.float32),
        pltpu.VMEM((1, _K), jnp.int32),
        pltpu.VMEM((_K, 128), jnp.float32),
    ],
)
def _sc_count(dsts, cnt_out, accc, dst_v, buf):
    c = lax.axis_index("c")
    s = lax.axis_index("s")
    wid = c * 16 + s

    zeros16 = jnp.zeros((16,), jnp.float32)
    ones16 = jnp.ones((16,), jnp.float32)

    def fill_zero(r, _):
        def piece(k, _):
            buf[r, pl.ds(k * 16, 16)] = zeros16
            return 0
        lax.fori_loop(0, 8, piece, 0)
        return 0
    lax.fori_loop(0, _K, fill_zero, 0)

    base = s * _RPT

    def zero_acc(k, _):
        pltpu.sync_copy(buf, accc.at[pl.ds(base + k * _K, _K)])
        return 0
    lax.fori_loop(0, _RPT // _K, zero_acc, 0)

    def fill_one(r, _):
        def piece(k, _):
            buf[r, pl.ds(k * 16, 16)] = ones16
            return 0
        lax.fori_loop(0, 8, piece, 0)
        return 0
    lax.fori_loop(0, _K, fill_one, 0)
    plsc.subcore_barrier()

    def chunk(j, _):
        pltpu.sync_copy(dsts.at[wid, pl.ds(j, 1)], dst_v)
        pltpu.sync_copy(buf, accc.at[dst_v.at[0]], add=True)
        return 0
    lax.fori_loop(0, _CH, chunk, 0)

    plsc.subcore_barrier()

    def wb(k, _):
        sl = pl.ds(base + k * _K, _K)
        pltpu.sync_copy(accc.at[sl], buf)
        pltpu.sync_copy(buf, cnt_out.at[c, sl])
        return 0
    lax.fori_loop(0, _RPT // _K, wb, 0)


_RB = 1000


def _dense_body(x_ref, s0_ref, s1_ref, c0_ref, c1_ref,
                wst_ref, bs_ref, wnt_ref, bn_ref, wit_ref, bi_ref,
                alw_ref, alb_ref, ahw_ref, ahb_ref, amw_ref, amb_ref,
                o_ref):
    x = x_ref[...]
    cnt = c0_ref[:, 0:1] + c1_ref[:, 0:1]
    inv = 1.0 / jnp.maximum(cnt, 1.0)
    hn = jnp.concatenate([s0_ref[...], s1_ref[...]], axis=1) * inv
    fs = jnp.dot(x, wst_ref[...], preferred_element_type=jnp.float32) + bs_ref[...]
    fn = jnp.dot(hn, wnt_ref[...], preferred_element_type=jnp.float32) + bn_ref[...]
    ident = jnp.maximum(
        jnp.dot(x, wit_ref[...], preferred_element_type=jnp.float32) + bi_ref[...],
        0.0)
    low = jnp.maximum(fs + fn, 0.0)
    high = jnp.maximum(fs - fn, 0.0)

    def att(v, w, b):
        n = jnp.sqrt(jnp.sum(v * v, axis=1, keepdims=True)) + 1e-16
        t = jnp.sum(v * w, axis=1, keepdims=True) / n + b
        e = jnp.where(t > 0.0, t, 5.0 * (jnp.exp(jnp.minimum(t, 0.0)) - 1.0))
        return 1.0 / (1.0 + jnp.exp(-e))

    al = att(low, alw_ref[...], alb_ref[...])
    ah = att(high, ahw_ref[...], ahb_ref[...])
    am = att(ident, amw_ref[...], amb_ref[...])
    o_ref[...] = 3.0 * (al * low + ah * high + am * ident)


def _row_spec(cols):
    return pl.BlockSpec((_RB, cols), lambda i: (i, 0))


def _full_spec(r, cols):
    return pl.BlockSpec((r, cols), lambda i: (0, 0))


_dense = pl.pallas_call(
    _dense_body,
    grid=(_N // _RB,),
    in_specs=[
        _row_spec(_D),
        _row_spec(128),
        _row_spec(128),
        _row_spec(16),
        _row_spec(16),
        _full_spec(_D, _D), _full_spec(1, _D),
        _full_spec(_D, _D), _full_spec(1, _D),
        _full_spec(_D, _D), _full_spec(1, _D),
        _full_spec(1, _D), _full_spec(1, 1),
        _full_spec(1, _D), _full_spec(1, 1),
        _full_spec(1, _D), _full_spec(1, 1),
    ],
    out_specs=_row_spec(_D),
    out_shape=jax.ShapeDtypeStruct((_N, _D), jnp.float32),
)


def kernel(feat, edge_index, Ws, bs, Wn, bn, Wi, bi,
           alw, alb, ahw, ahb, amw, amb):
    src = edge_index[0]
    dst = edge_index[1]
    pad = _EPAD - _E
    src_p = jnp.concatenate([src, jnp.zeros((pad,), jnp.int32)])
    dst_p = jnp.concatenate([dst, jnp.full((pad,), _N2, jnp.int32)])
    src_s = src_p.reshape(16, _CHT, _KS)
    dst_s = dst_p.reshape(16, _CHT, _KS)
    feat2 = feat.reshape(2 * _N, 128)

    src01 = jnp.stack([2 * src_s, 2 * src_s + 1])
    summ = _sc_segsum(feat2, src01, dst_s)
    cnts = _sc_count(dst_p.reshape(_NW, _CH, _K))

    return _dense(
        feat, summ[0, :_N], summ[1, :_N],
        cnts[0, :_N, :16], cnts[1, :_N, :16],
        Ws.T, bs.reshape(1, _D),
        Wn.T, bn.reshape(1, _D),
        Wi.T, bi.reshape(1, _D),
        alw, alb.reshape(1, 1),
        ahw, ahb.reshape(1, 1),
        amw, amb.reshape(1, 1),
    )

# --- scband reference (transcript-rebuilt; emitter-appended) ---
"""Pipeline reference for scband-sageconv-85950885527564 (READ-ONLY COPY).

The authoritative reference and input builder live on the scoring server;
editing this copy changes nothing except your own understanding.
"""

import jax, jax.numpy as jnp
import numpy as np

N = 10000
E = 160000
D = 256
O = 256

def setup_inputs(seed: int = 0) -> dict:
    key = jax.random.key(seed)
    ks = jax.random.split(key, 16)
    feat = jax.random.normal(ks[0], (N, D), dtype=jnp.float32)
    edge_index = jax.random.randint(ks[1], (2, E), 0, N, dtype=jnp.int32)
    s = 0.05
    Ws = jax.random.normal(ks[2], (O, D), dtype=jnp.float32) * s
    bs = jnp.zeros((O,), dtype=jnp.float32)
    Wn = jax.random.normal(ks[3], (O, D), dtype=jnp.float32) * s
    bn = jnp.zeros((O,), dtype=jnp.float32)
    Wi = jax.random.normal(ks[4], (O, D), dtype=jnp.float32) * s
    bi = jnp.zeros((O,), dtype=jnp.float32)
    alw = jax.random.normal(ks[5], (1, O), dtype=jnp.float32) * s
    alb = jnp.zeros((1,), dtype=jnp.float32)
    ahw = jax.random.normal(ks[6], (1, O), dtype=jnp.float32) * s
    ahb = jnp.zeros((1,), dtype=jnp.float32)
    amw = jax.random.normal(ks[7], (1, O), dtype=jnp.float32) * s
    amb = jnp.zeros((1,), dtype=jnp.float32)
    return {"feat": feat, "edge_index": edge_index, "Ws": Ws, "bs": bs, "Wn": Wn, "bn": bn, "Wi": Wi, "bi": bi, "alw": alw, "alb": alb, "ahw": ahw, "ahb": ahb, "amw": amw, "amb": amb}

def reference(feat, edge_index, Ws, bs, Wn, bn, Wi, bi, alw, alb, ahw, ahb, amw, amb):
    # feat_drop is identity (p=0.0). dst nodes == all nodes (homogeneous graph).
    src = edge_index[0]
    dst = edge_index[1]
    # message passing: copy src features, mean-reduce by dst node
    msgs = jnp.take(feat, src, axis=0)
    summ = jax.ops.segment_sum(msgs, dst, num_segments=N)
    cnt = jax.ops.segment_sum(jnp.ones((E,), dtype=feat.dtype), dst, num_segments=N)
    h_neigh = summ / jnp.maximum(cnt, 1.0)[:, None]
    h_self = feat
    from_self = h_self @ Ws.T + bs
    from_neigh = h_neigh @ Wn.T + bn
    low = jax.nn.relu(from_self + from_neigh)
    high = jax.nn.relu(from_self - from_neigh)
    identity = jax.nn.relu(feat @ Wi.T + bi)
    sg = jax.lax.stop_gradient
    low_norm = sg(jnp.linalg.norm(low, axis=1))[:, None] + 1e-16
    high_norm = sg(jnp.linalg.norm(high, axis=1))[:, None] + 1e-16
    mlp_norm = sg(jnp.linalg.norm(identity, axis=1))[:, None] + 1e-16
    att_mlp = jax.nn.sigmoid(jax.nn.elu((sg(identity) / mlp_norm) @ amw.T + amb, alpha=5.0))
    att_low = jax.nn.sigmoid(jax.nn.elu((sg(low) / low_norm) @ alw.T + alb, alpha=5.0))
    att_high = jax.nn.sigmoid(jax.nn.elu((sg(high) / high_norm) @ ahw.T + ahb, alpha=5.0))
    rst = 3.0 * (att_low * low + att_high * high + att_mlp * identity)
    return rst

if __name__ == "__main__":
    import jax
    _d = setup_inputs()
    print(jax.jit(kernel)(*tuple(_d.values())))

</pallas_src>

<mosaic_0001>
#map = affine_map<(d0, d1) -> (0, 0)>
#map1 = affine_map<(d0, d1) -> (0, 0, 0, 0)>
#map2 = affine_map<(d0, d1) -> (0, 0, 0)>
module attributes {stable_mosaic.version = 14 : i64} {
  func.func @_sc_segsum(%arg0: i32, %arg1: i32, %arg2: memref<20000x128xf32, #tpu.memory_space<hbm>>, %arg3: memref<2x16x160x64xi32, #tpu.memory_space<hbm>>, %arg4: memref<16x160x64xi32, #tpu.memory_space<hbm>>, %arg5: memref<2x10240x128xf32, #tpu.memory_space<hbm>>, %arg6: memref<10248x128xf32, #tpu.memory_space<vmem_shared>>, %arg7: memref<2x64xi32, #tpu.memory_space<vmem>>, %arg8: memref<2x64xi32, #tpu.memory_space<vmem>>, %arg9: memref<128x128xf32, #tpu.memory_space<vmem>>, %arg10: memref<!tpu.dma_semaphore, #tpu.memory_space<semaphore_mem>>, %arg11: memref<!tpu.dma_semaphore, #tpu.memory_space<semaphore_mem>>) attributes {dimension_semantics = [#tpu.dimension_semantics<core_parallel>, #tpu.dimension_semantics<subcore_parallel>], iteration_bounds = array<i64: 2, 16>, scalar_prefetch = 0 : i64, scratch_operands = 6 : i64, tpu.core_type = #tpu.core_type<sc_vector_subcore>, window_params = [{transform_indices = #map}, {transform_indices = #map1}, {transform_indices = #map2}, {transform_indices = #map2}]} {
    %broadcast_in_dim3A = arith.constant 0.000000e+00 : f32
    %broadcast_in_dim3A_0 = vector.broadcast %broadcast_in_dim3A : f32 to vector<16xf32>
    %scan3A = arith.constant 0 : i32
    %scan3A_1 = arith.constant 0 : i32
    %scan3A_2 = arith.constant 64 : i32
    %scan3A_3 = arith.addi %scan3A_1, %scan3A_2 : i32
    %scan3A_4 = arith.constant 1 : i32
    %scan3A_5 = scf.for %scan3A_39 = %scan3A_1 to %scan3A_3 step %scan3A_4 iter_args(%scan3A_40 = %scan3A) -> (i32)  : i32 {
      %scan3A_41 = arith.constant 0 : i32
      %scan3A_42 = arith.constant 0 : i32
      %scan3A_43 = arith.constant 8 : i32
      %scan3A_44 = arith.addi %scan3A_42, %scan3A_43 : i32
      %scan3A_45 = arith.constant 1 : i32
      %scan3A_46 = scf.for %scan3A_49 = %scan3A_42 to %scan3A_44 step %scan3A_45 iter_args(%scan3A_50 = %scan3A_41) -> (i32)  : i32 {
        %mul3A_51 = arith.constant 16 : i32
        %mul3A_52 = arith.muli %scan3A_49, %mul3A_51 : i32
        %swap3A = arith.index_cast %scan3A_39 : i32 to index
        %swap3A_53 = arith.index_cast %mul3A_52 : i32 to index
        %swap3A_54 = tpu.vector_load %arg9[%swap3A, %swap3A_53] {strides = array<i32>} : memref<128x128xf32, #tpu.memory_space<vmem>>, vector<1x16xf32>,
        %swap3A_55 = vector.shape_cast %swap3A_54 : vector<1x16xf32> to vector<16xf32>
        %swap3A_56 = vector.shape_cast %broadcast_in_dim3A_0 : vector<16xf32> to vector<1x16xf32>
        tpu.vector_store %arg9[%swap3A, %swap3A_53], %swap3A_56 {strides = array<i32>} : memref<128x128xf32, #tpu.memory_space<vmem>>, vector<1x16xf32>,
        %scan3A_57 = arith.constant 0 : i32
        scf.yield %scan3A_57 : i32
      }
      %scan3A_47 = arith.constant 8 : i32
      %scan3A_48 = arith.constant 0 : i32
      scf.yield %scan3A_48 : i32
    }
    %scan3A_6 = arith.constant 64 : i32
    %mul3A = arith.constant 640 : i32
    %mul3A_7 = arith.muli %arg1, %mul3A : i32
    %scan3A_8 = arith.constant 0 : i32
    %scan3A_9 = arith.constant 0 : i32
    %scan3A_10 = arith.constant 10 : i32
    %scan3A_11 = arith.addi %scan3A_9, %scan3A_10 : i32
    %scan3A_12 = arith.constant 1 : i32
    %scan3A_13 = scf.for %scan3A_39 = %scan3A_9 to %scan3A_11 step %scan3A_12 iter_args(%scan3A_40 = %scan3A_8) -> (i32)  : i32 {
      %mul3A_41 = arith.constant 64 : i32
      %mul3A_42 = arith.muli %scan3A_39, %mul3A_41 : i32
      %add3A = arith.addi %mul3A_7, %mul3A_42 : i32
      "tpu.region"() ({
        %run_scoped3A = tpu.sem_alloc : memref<!tpu.dma_semaphore, #tpu.memory_space<semaphore_mem>>
        %dma_start3A_44 = arith.constant 0 : i32
        %dma_start3A_45 = arith.constant 0 : i32
        %dma_start3A_46 = tpu.memref_slice %arg9[%dma_start3A_44, %dma_start3A_45] : memref<128x128xf32, #tpu.memory_space<vmem>> -> memref<64x128xf32, #tpu.memory_space<vmem>>
        %dma_start3A_47 = arith.constant 0 : i32
        %dma_start3A_48 = tpu.memref_slice %arg6[%add3A, %dma_start3A_47] : memref<10248x128xf32, #tpu.memory_space<vmem_shared>> -> memref<64x128xf32, #tpu.memory_space<vmem_shared>>
        %dma_start3A_49 = arith.constant 0 : i32
        %dma_start3A_50 = tpu.memref_slice %arg6[%add3A, %dma_start3A_49] : memref<10248x128xf32, #tpu.memory_space<vmem_shared>> -> memref<64x128xf32, #tpu.memory_space<vmem_shared>>
        %dma_start3A_51 = arith.constant 0 : i32
        %dma_start3A_52 = arith.constant 0 : i32
        %dma_start3A_53 = tpu.memref_slice %arg9[%dma_start3A_51, %dma_start3A_52] : memref<128x128xf32, #tpu.memory_space<vmem>> -> memref<64x128xf32, #tpu.memory_space<vmem>>
        tpu.enqueue_dma source(%dma_start3A_53 : memref<64x128xf32, #tpu.memory_space<vmem>>) target(%dma_start3A_50 : memref<64x128xf32, #tpu.memory_space<vmem_shared>>) target_semaphore(%run_scoped3A : memref<!tpu.dma_semaphore, #tpu.memory_space<semaphore_mem>>)
        %dma_wait3A = arith.constant 0 : i32
        %dma_wait3A_54 = arith.constant 0 : i32
        %dma_wait3A_55 = tpu.memref_slice %arg9[%dma_wait3A, %dma_wait3A_54] : memref<128x128xf32, #tpu.memory_space<vmem>> -> memref<64x128xf32, #tpu.memory_space<vmem>>
        %dma_wait3A_56 = arith.constant 0 : i32
        %dma_wait3A_57 = tpu.memref_slice %arg6[%add3A, %dma_wait3A_56] : memref<10248x128xf32, #tpu.memory_space<vmem_shared>> -> memref<64x128xf32, #tpu.memory_space<vmem_shared>>
        %dma_wait3A_58 = arith.constant 0 : i32
        %dma_wait3A_59 = tpu.memref_slice %arg6[%add3A, %dma_wait3A_58] : memref<10248x128xf32, #tpu.memory_space<vmem_shared>> -> memref<64x128xf32, #tpu.memory_space<vmem_shared>>
        %dma_wait3A_60 = arith.constant 0 : i32
        %dma_wait3A_61 = arith.constant 0 : i32
        %dma_wait3A_62 = tpu.memref_slice %arg9[%dma_wait3A_60, %dma_wait3A_61] : memref<128x128xf32, #tpu.memory_space<vmem>> -> memref<64x128xf32, #tpu.memory_space<vmem>>
        tpu.wait_dma2 semaphore(%run_scoped3A : memref<!tpu.dma_semaphore, #tpu.memory_space<semaphore_mem>>) src(%dma_wait3A_62 : memref<64x128xf32, #tpu.memory_space<vmem>>) dst(%dma_wait3A_59 : memref<64x128xf32, #tpu.memory_space<vmem_shared>>)
        tpu.yield
      }) : () -> ()
      %scan3A_43 = arith.constant 0 : i32
      scf.yield %scan3A_43 : i32
    }
    %scan3A_14 = arith.constant 10 : i32
    %barrier3A = arith.constant 0 : index
    tpu.barrier barrier_id(%barrier3A)
    "tpu.region"() ({
      %run_scoped3A = tpu.sem_alloc : memref<!tpu.dma_semaphore, #tpu.memory_space<semaphore_mem>>
      %dma_start3A_39 = arith.constant 0 : i32
      %dma_start3A_40 = arith.constant 0 : i32
      %dma_start3A_41 = tpu.memref_slice %arg8[%dma_start3A_39, %dma_start3A_40] : memref<2x64xi32, #tpu.memory_space<vmem>> -> memref<1x64xi32, #tpu.memory_space<vmem>>
      %dma_start3A_42 = arith.constant 0 : i32
      %dma_start3A_43 = arith.constant 0 : i32
      %dma_start3A_44 = tpu.memref_slice %arg3[%arg0, %arg1, %dma_start3A_42, %dma_start3A_43] : memref<2x16x160x64xi32, #tpu.memory_space<hbm>> -> memref<1x1x1x64xi32, #tpu.memory_space<hbm>>
      %dma_start3A_45 = tpu.memref_squeeze %dma_start3A_44 : memref<1x1x1x64xi32, #tpu.memory_space<hbm>> -> memref<1x64xi32, #tpu.memory_space<hbm>>
      %dma_start3A_46 = arith.constant 0 : i32
      %dma_start3A_47 = arith.constant 0 : i32
      %dma_start3A_48 = tpu.memref_slice %arg8[%dma_start3A_46, %dma_start3A_47] : memref<2x64xi32, #tpu.memory_space<vmem>> -> memref<1x64xi32, #tpu.memory_space<vmem>>
      %dma_start3A_49 = arith.constant 0 : i32
      %dma_start3A_50 = arith.constant 0 : i32
      %dma_start3A_51 = tpu.memref_slice %arg3[%arg0, %arg1, %dma_start3A_49, %dma_start3A_50] : memref<2x16x160x64xi32, #tpu.memory_space<hbm>> -> memref<1x1x1x64xi32, #tpu.memory_space<hbm>>
      %dma_start3A_52 = tpu.memref_squeeze %dma_start3A_51 : memref<1x1x1x64xi32, #tpu.memory_space<hbm>> -> memref<1x64xi32, #tpu.memory_space<hbm>>
      tpu.enqueue_dma source(%dma_start3A_52 : memref<1x64xi32, #tpu.memory_space<hbm>>) target(%dma_start3A_48 : memref<1x64xi32, #tpu.memory_space<vmem>>) target_semaphore(%run_scoped3A : memref<!tpu.dma_semaphore, #tpu.memory_space<semaphore_mem>>)
      %dma_wait3A = arith.constant 0 : i32
      %dma_wait3A_53 = arith.constant 0 : i32
      %dma_wait3A_54 = tpu.memref_slice %arg8[%dma_wait3A, %dma_wait3A_53] : memref<2x64xi32, #tpu.memory_space<vmem>> -> memref<1x64xi32, #tpu.memory_space<vmem>>
      %dma_wait3A_55 = arith.constant 0 : i32
      %dma_wait3A_56 = arith.constant 0 : i32
      %dma_wait3A_57 = tpu.memref_slice %arg3[%arg0, %arg1, %dma_wait3A_55, %dma_wait3A_56] : memref<2x16x160x64xi32, #tpu.memory_space<hbm>> -> memref<1x1x1x64xi32, #tpu.memory_space<hbm>>
      %dma_wait3A_58 = tpu.memref_squeeze %dma_wait3A_57 : memref<1x1x1x64xi32, #tpu.memory_space<hbm>> -> memref<1x64xi32, #tpu.memory_space<hbm>>
      %dma_wait3A_59 = arith.constant 0 : i32
      %dma_wait3A_60 = arith.constant 0 : i32
      %dma_wait3A_61 = tpu.memref_slice %arg8[%dma_wait3A_59, %dma_wait3A_60] : memref<2x64xi32, #tpu.memory_space<vmem>> -> memref<1x64xi32, #tpu.memory_space<vmem>>
      %dma_wait3A_62 = arith.constant 0 : i32
      %dma_wait3A_63 = arith.constant 0 : i32
      %dma_wait3A_64 = tpu.memref_slice %arg3[%arg0, %arg1, %dma_wait3A_62, %dma_wait3A_63] : memref<2x16x160x64xi32, #tpu.memory_space<hbm>> -> memref<1x1x1x64xi32, #tpu.memory_space<hbm>>
      %dma_wait3A_65 = tpu.memref_squeeze %dma_wait3A_64 : memref<1x1x1x64xi32, #tpu.memory_space<hbm>> -> memref<1x64xi32, #tpu.memory_space<hbm>>
      tpu.wait_dma2 semaphore(%run_scoped3A : memref<!tpu.dma_semaphore, #tpu.memory_space<semaphore_mem>>) src(%dma_wait3A_65 : memref<1x64xi32, #tpu.memory_space<hbm>>) dst(%dma_wait3A_61 : memref<1x64xi32, #tpu.memory_space<vmem>>)
      tpu.yield
    }) : () -> ()
    "tpu.region"() ({
      %run_scoped3A = tpu.sem_alloc : memref<!tpu.dma_semaphore, #tpu.memory_space<semaphore_mem>>
      %dma_start3A_39 = arith.constant 0 : i32
      %dma_start3A_40 = arith.constant 0 : i32
      %dma_start3A_41 = tpu.memref_slice %arg7[%dma_start3A_39, %dma_start3A_40] : memref<2x64xi32, #tpu.memory_space<vmem>> -> memref<1x64xi32, #tpu.memory_space<vmem>>
      %dma_start3A_42 = arith.constant 0 : i32
      %dma_start3A_43 = arith.constant 0 : i32
      %dma_start3A_44 = tpu.memref_slice %arg4[%arg1, %dma_start3A_42, %dma_start3A_43] : memref<16x160x64xi32, #tpu.memory_space<hbm>> -> memref<1x1x64xi32, #tpu.memory_space<hbm>>
      %dma_start3A_45 = tpu.memref_squeeze %dma_start3A_44 : memref<1x1x64xi32, #tpu.memory_space<hbm>> -> memref<1x64xi32, #tpu.memory_space<hbm>>
      %dma_start3A_46 = arith.constant 0 : i32
      %dma_start3A_47 = arith.constant 0 : i32
      %dma_start3A_48 = tpu.memref_slice %arg7[%dma_start3A_46, %dma_start3A_47] : memref<2x64xi32, #tpu.memory_space<vmem>> -> memref<1x64xi32, #tpu.memory_space<vmem>>
      %dma_start3A_49 = arith.constant 0 : i32
      %dma_start3A_50 = arith.constant 0 : i32
      %dma_start3A_51 = tpu.memref_slice %arg4[%arg1, %dma_start3A_49, %dma_start3A_50] : memref<16x160x64xi32, #tpu.memory_space<hbm>> -> memref<1x1x64xi32, #tpu.memory_space<hbm>>
      %dma_start3A_52 = tpu.memref_squeeze %dma_start3A_51 : memref<1x1x64xi32, #tpu.memory_space<hbm>> -> memref<1x64xi32, #tpu.memory_space<hbm>>
      tpu.enqueue_dma source(%dma_start3A_52 : memref<1x64xi32, #tpu.memory_space<hbm>>) target(%dma_start3A_48 : memref<1x64xi32, #tpu.memory_space<vmem>>) target_semaphore(%run_scoped3A : memref<!tpu.dma_semaphore, #tpu.memory_space<semaphore_mem>>)
      %dma_wait3A = arith.constant 0 : i32
      %dma_wait3A_53 = arith.constant 0 : i32
      %dma_wait3A_54 = tpu.memref_slice %arg7[%dma_wait3A, %dma_wait3A_53] : memref<2x64xi32, #tpu.memory_space<vmem>> -> memref<1x64xi32, #tpu.memory_space<vmem>>
      %dma_wait3A_55 = arith.constant 0 : i32
      %dma_wait3A_56 = arith.constant 0 : i32
      %dma_wait3A_57 = tpu.memref_slice %arg4[%arg1, %dma_wait3A_55, %dma_wait3A_56] : memref<16x160x64xi32, #tpu.memory_space<hbm>> -> memref<1x1x64xi32, #tpu.memory_space<hbm>>
      %dma_wait3A_58 = tpu.memref_squeeze %dma_wait3A_57 : memref<1x1x64xi32, #tpu.memory_space<hbm>> -> memref<1x64xi32, #tpu.memory_space<hbm>>
      %dma_wait3A_59 = arith.constant 0 : i32
      %dma_wait3A_60 = arith.constant 0 : i32
      %dma_wait3A_61 = tpu.memref_slice %arg7[%dma_wait3A_59, %dma_wait3A_60] : memref<2x64xi32, #tpu.memory_space<vmem>> -> memref<1x64xi32, #tpu.memory_space<vmem>>
      %dma_wait3A_62 = arith.constant 0 : i32
      %dma_wait3A_63 = arith.constant 0 : i32
      %dma_wait3A_64 = tpu.memref_slice %arg4[%arg1, %dma_wait3A_62, %dma_wait3A_63] : memref<16x160x64xi32, #tpu.memory_space<hbm>> -> memref<1x1x64xi32, #tpu.memory_space<hbm>>
      %dma_wait3A_65 = tpu.memref_squeeze %dma_wait3A_64 : memref<1x1x64xi32, #tpu.memory_space<hbm>> -> memref<1x64xi32, #tpu.memory_space<hbm>>
      tpu.wait_dma2 semaphore(%run_scoped3A : memref<!tpu.dma_semaphore, #tpu.memory_space<semaphore_mem>>) src(%dma_wait3A_65 : memref<1x64xi32, #tpu.memory_space<hbm>>) dst(%dma_wait3A_61 : memref<1x64xi32, #tpu.memory_space<vmem>>)
      tpu.yield
    }) : () -> ()
    %dma_start3A = arith.constant 0 : i32
    %dma_start3A_15 = arith.constant 0 : i32
    %dma_start3A_16 = arith.constant 0 : i32
    %dma_start3A_17 = tpu.memref_slice %arg9[%dma_start3A_15, %dma_start3A_16] : memref<128x128xf32, #tpu.memory_space<vmem>> -> memref<64x128xf32, #tpu.memory_space<vmem>>
    %dma_start3A_18 = arith.constant 0 : i32
    %dma_start3A_19 = tpu.memref_slice %arg8[%dma_start3A, %dma_start3A_18] : memref<2x64xi32, #tpu.memory_space<vmem>> -> memref<1x64xi32, #tpu.memory_space<vmem>>
    %dma_start3A_20 = tpu.memref_squeeze %dma_start3A_19 : memref<1x64xi32, #tpu.memory_space<vmem>> -> memref<64xi32, #tpu.memory_space<vmem>>
    %dma_start3A_21 = arith.constant 0 : i32
    %dma_start3A_22 = arith.constant 0 : i32
    %dma_start3A_23 = tpu.memref_slice %arg2[%dma_start3A_21, %dma_start3A_22] : memref<20000x128xf32, #tpu.memory_space<hbm>> -> memref<20000x128xf32, #tpu.memory_space<hbm>>
    tpu.enqueue_indirect_dma source(%dma_start3A_23 : memref<20000x128xf32, #tpu.memory_space<hbm>>) target(%dma_start3A_17 : memref<64x128xf32, #tpu.memory_space<vmem>>) offsets(%dma_start3A_20 : memref<64xi32, #tpu.memory_space<vmem>>) semaphore(%arg10 : memref<!tpu.dma_semaphore, #tpu.memory_space<semaphore_mem>>)
    %scan3A_24 = arith.constant 0 : i32
    %scan3A_25 = arith.constant 0 : i32
    %scan3A_26 = arith.constant 80 : i32
    %scan3A_27 = arith.addi %scan3A_25, %scan3A_26 : i32
    %scan3A_28 = arith.constant 1 : i32
    %scan3A_29 = scf.for %scan3A_39 = %scan3A_25 to %scan3A_27 step %scan3A_28 iter_args(%scan3A_40 = %scan3A_24) -> (i32)  : i32 {
      %mul3A_41 = arith.constant 2 : i32
      %mul3A_42 = arith.muli %mul3A_41, %scan3A_39 : i32
      %add3A = arith.constant 1 : i32
      %add3A_43 = arith.addi %mul3A_42, %add3A : i32
      "tpu.region"() ({
        %run_scoped3A_83 = tpu.sem_alloc : memref<!tpu.dma_semaphore, #tpu.memory_space<semaphore_mem>>
        %dma_start3A_84 = arith.constant 1 : i32
        %dma_start3A_85 = arith.constant 0 : i32
        %dma_start3A_86 = tpu.memref_slice %arg8[%dma_start3A_84, %dma_start3A_85] : memref<2x64xi32, #tpu.memory_space<vmem>> -> memref<1x64xi32, #tpu.memory_space<vmem>>
        %dma_start3A_87 = arith.constant 0 : i32
        %dma_start3A_88 = tpu.memref_slice %arg3[%arg0, %arg1, %add3A_43, %dma_start3A_87] : memref<2x16x160x64xi32, #tpu.memory_space<hbm>> -> memref<1x1x1x64xi32, #tpu.memory_space<hbm>>
        %dma_start3A_89 = tpu.memref_squeeze %dma_start3A_88 : memref<1x1x1x64xi32, #tpu.memory_space<hbm>> -> memref<1x64xi32, #tpu.memory_space<hbm>>
        %dma_start3A_90 = arith.constant 1 : i32
        %dma_start3A_91 = arith.constant 0 : i32
        %dma_start3A_92 = tpu.memref_slice %arg8[%dma_start3A_90, %dma_start3A_91] : memref<2x64xi32, #tpu.memory_space<vmem>> -> memref<1x64xi32, #tpu.memory_space<vmem>>
        %dma_start3A_93 = arith.constant 0 : i32
        %dma_start3A_94 = tpu.memref_slice %arg3[%arg0, %arg1, %add3A_43, %dma_start3A_93] : memref<2x16x160x64xi32, #tpu.memory_space<hbm>> -> memref<1x1x1x64xi32, #tpu.memory_space<hbm>>
        %dma_start3A_95 = tpu.memref_squeeze %dma_start3A_94 : memref<1x1x1x64xi32, #tpu.memory_space<hbm>> -> memref<1x64xi32, #tpu.memory_space<hbm>>
        tpu.enqueue_dma source(%dma_start3A_95 : memref<1x64xi32, #tpu.memory_space<hbm>>) target(%dma_start3A_92 : memref<1x64xi32, #tpu.memory_space<vmem>>) target_semaphore(%run_scoped3A_83 : memref<!tpu.dma_semaphore, #tpu.memory_space<semaphore_mem>>)
        %dma_wait3A_96 = arith.constant 1 : i32
        %dma_wait3A_97 = arith.constant 0 : i32
        %dma_wait3A_98 = tpu.memref_slice %arg8[%dma_wait3A_96, %dma_wait3A_97] : memref<2x64xi32, #tpu.memory_space<vmem>> -> memref<1x64xi32, #tpu.memory_space<vmem>>
        %dma_wait3A_99 = arith.constant 0 : i32
        %dma_wait3A_100 = tpu.memref_slice %arg3[%arg0, %arg1, %add3A_43, %dma_wait3A_99] : memref<2x16x160x64xi32, #tpu.memory_space<hbm>> -> memref<1x1x1x64xi32, #tpu.memory_space<hbm>>
        %dma_wait3A_101 = tpu.memref_squeeze %dma_wait3A_100 : memref<1x1x1x64xi32, #tpu.memory_space<hbm>> -> memref<1x64xi32, #tpu.memory_space<hbm>>
        %dma_wait3A_102 = arith.constant 1 : i32
        %dma_wait3A_103 = arith.constant 0 : i32
        %dma_wait3A_104 = tpu.memref_slice %arg8[%dma_wait3A_102, %dma_wait3A_103] : memref<2x64xi32, #tpu.memory_space<vmem>> -> memref<1x64xi32, #tpu.memory_space<vmem>>
        %dma_wait3A_105 = arith.constant 0 : i32
        %dma_wait3A_106 = tpu.memref_slice %arg3[%arg0, %arg1, %add3A_43, %dma_wait3A_105] : memref<2x16x160x64xi32, #tpu.memory_space<hbm>> -> memref<1x1x1x64xi32, #tpu.memory_space<hbm>>
        %dma_wait3A_107 = tpu.memref_squeeze %dma_wait3A_106 : memref<1x1x1x64xi32, #tpu.memory_space<hbm>> -> memref<1x64xi32, #tpu.memory_space<hbm>>
        tpu.wait_dma2 semaphore(%run_scoped3A_83 : memref<!tpu.dma_semaphore, #tpu.memory_space<semaphore_mem>>) src(%dma_wait3A_107 : memref<1x64xi32, #tpu.memory_space<hbm>>) dst(%dma_wait3A_104 : memref<1x64xi32, #tpu.memory_space<vmem>>)
        tpu.yield
      }) : () -> ()
      "tpu.region"() ({
        %run_scoped3A_83 = tpu.sem_alloc : memref<!tpu.dma_semaphore, #tpu.memory_space<semaphore_mem>>
        %dma_start3A_84 = arith.constant 1 : i32
        %dma_start3A_85 = arith.constant 0 : i32
        %dma_start3A_86 = tpu.memref_slice %arg7[%dma_start3A_84, %dma_start3A_85] : memref<2x64xi32, #tpu.memory_space<vmem>> -> memref<1x64xi32, #tpu.memory_space<vmem>>
        %dma_start3A_87 = arith.constant 0 : i32
        %dma_start3A_88 = tpu.memref_slice %arg4[%arg1, %add3A_43, %dma_start3A_87] : memref<16x160x64xi32, #tpu.memory_space<hbm>> -> memref<1x1x64xi32, #tpu.memory_space<hbm>>
        %dma_start3A_89 = tpu.memref_squeeze %dma_start3A_88 : memref<1x1x64xi32, #tpu.memory_space<hbm>> -> memref<1x64xi32, #tpu.memory_space<hbm>>
        %dma_start3A_90 = arith.constant 1 : i32
        %dma_start3A_91 = arith.constant 0 : i32
        %dma_start3A_92 = tpu.memref_slice %arg7[%dma_start3A_90, %dma_start3A_91] : memref<2x64xi32, #tpu.memory_space<vmem>> -> memref<1x64xi32, #tpu.memory_space<vmem>>
        %dma_start3A_93 = arith.constant 0 : i32
        %dma_start3A_94 = tpu.memref_slice %arg4[%arg1, %add3A_43, %dma_start3A_93] : memref<16x160x64xi32, #tpu.memory_space<hbm>> -> memref<1x1x64xi32, #tpu.memory_space<hbm>>
        %dma_start3A_95 = tpu.memref_squeeze %dma_start3A_94 : memref<1x1x64xi32, #tpu.memory_space<hbm>> -> memref<1x64xi32, #tpu.memory_space<hbm>>
        tpu.enqueue_dma source(%dma_start3A_95 : memref<1x64xi32, #tpu.memory_space<hbm>>) target(%dma_start3A_92 : memref<1x64xi32, #tpu.memory_space<vmem>>) target_semaphore(%run_scoped3A_83 : memref<!tpu.dma_semaphore, #tpu.memory_space<semaphore_mem>>)
        %dma_wait3A_96 = arith.constant 1 : i32
        %dma_wait3A_97 = arith.constant 0 : i32
        %dma_wait3A_98 = tpu.memref_slice %arg7[%dma_wait3A_96, %dma_wait3A_97] : memref<2x64xi32, #tpu.memory_space<vmem>> -> memref<1x64xi32, #tpu.memory_space<vmem>>
        %dma_wait3A_99 = arith.constant 0 : i32
        %dma_wait3A_100 = tpu.memref_slice %arg4[%arg1, %add3A_43, %dma_wait3A_99] : memref<16x160x64xi32, #tpu.memory_space<hbm>> -> memref<1x1x64xi32, #tpu.memory_space<hbm>>
        %dma_wait3A_101 = tpu.memref_squeeze %dma_wait3A_100 : memref<1x1x64xi32, #tpu.memory_space<hbm>> -> memref<1x64xi32, #tpu.memory_space<hbm>>
        %dma_wait3A_102 = arith.constant 1 : i32
        %dma_wait3A_103 = arith.constant 0 : i32
        %dma_wait3A_104 = tpu.memref_slice %arg7[%dma_wait3A_102, %dma_wait3A_103] : memref<2x64xi32, #tpu.memory_space<vmem>> -> memref<1x64xi32, #tpu.memory_space<vmem>>
        %dma_wait3A_105 = arith.constant 0 : i32
        %dma_wait3A_106 = tpu.memref_slice %arg4[%arg1, %add3A_43, %dma_wait3A_105] : memref<16x160x64xi32, #tpu.memory_space<hbm>> -> memref<1x1x64xi32, #tpu.memory_space<hbm>>
        %dma_wait3A_107 = tpu.memref_squeeze %dma_wait3A_106 : memref<1x1x64xi32, #tpu.memory_space<hbm>> -> memref<1x64xi32, #tpu.memory_space<hbm>>
        tpu.wait_dma2 semaphore(%run_scoped3A_83 : memref<!tpu.dma_semaphore, #tpu.memory_space<semaphore_mem>>) src(%dma_wait3A_107 : memref<1x64xi32, #tpu.memory_space<hbm>>) dst(%dma_wait3A_104 : memref<1x64xi32, #tpu.memory_space<vmem>>)
        tpu.yield
      }) : () -> ()
      %dma_start3A_44 = arith.constant 1 : i32
      %dma_start3A_45 = arith.constant 64 : i32
      %dma_start3A_46 = arith.constant 0 : i32
      %dma_start3A_47 = tpu.memref_slice %arg9[%dma_start3A_45, %dma_start3A_46] : memref<128x128xf32, #tpu.memory_space<vmem>> -> memref<64x128xf32, #tpu.memory_space<vmem>>
      %dma_start3A_48 = arith.constant 0 : i32
      %dma_start3A_49 = tpu.memref_slice %arg8[%dma_start3A_44, %dma_start3A_48] : memref<2x64xi32, #tpu.memory_space<vmem>> -> memref<1x64xi32, #tpu.memory_space<vmem>>
      %dma_start3A_50 = tpu.memref_squeeze %dma_start3A_49 : memref<1x64xi32, #tpu.memory_space<vmem>> -> memref<64xi32, #tpu.memory_space<vmem>>
      %dma_start3A_51 = arith.constant 0 : i32
      %dma_start3A_52 = arith.constant 0 : i32
      %dma_start3A_53 = tpu.memref_slice %arg2[%dma_start3A_51, %dma_start3A_52] : memref<20000x128xf32, #tpu.memory_space<hbm>> -> memref<20000x128xf32, #tpu.memory_space<hbm>>
      tpu.enqueue_indirect_dma source(%dma_start3A_53 : memref<20000x128xf32, #tpu.memory_space<hbm>>) target(%dma_start3A_47 : memref<64x128xf32, #tpu.memory_space<vmem>>) offsets(%dma_start3A_50 : memref<64xi32, #tpu.memory_space<vmem>>) semaphore(%arg11 : memref<!tpu.dma_semaphore, #tpu.memory_space<semaphore_mem>>)
      %dma_wait3A = arith.constant 0 : i32
      %dma_wait3A_54 = arith.constant 0 : i32
      %dma_wait3A_55 = tpu.memref_slice %arg9[%dma_wait3A, %dma_wait3A_54] : memref<128x128xf32, #tpu.memory_space<vmem>> -> memref<64x128xf32, #tpu.memory_space<vmem>>
      %dma_wait3A_56 = arith.constant 0 : i32
      %dma_wait3A_57 = arith.constant 0 : i32
      %dma_wait3A_58 = tpu.memref_slice %arg2[%dma_wait3A_56, %dma_wait3A_57] : memref<20000x128xf32, #tpu.memory_space<hbm>> -> memref<64x128xf32, #tpu.memory_space<hbm>>
      %dma_wait3A_59 = arith.constant 0 : i32
      %dma_wait3A_60 = arith.constant 0 : i32
      %dma_wait3A_61 = tpu.memref_slice %arg9[%dma_wait3A_59, %dma_wait3A_60] : memref<128x128xf32, #tpu.memory_space<vmem>> -> memref<64x128xf32, #tpu.memory_space<vmem>>
      %dma_wait3A_62 = arith.constant 0 : i32
      %dma_wait3A_63 = arith.constant 0 : i32
      %dma_wait3A_64 = tpu.memref_slice %arg2[%dma_wait3A_62, %dma_wait3A_63] : memref<20000x128xf32, #tpu.memory_space<hbm>> -> memref<64x128xf32, #tpu.memory_space<hbm>>
      tpu.wait_dma2 semaphore(%arg10 : memref<!tpu.dma_semaphore, #tpu.memory_space<semaphore_mem>>) src(%dma_wait3A_64 : memref<64x128xf32, #tpu.memory_space<hbm>>) dst(%dma_wait3A_61 : memref<64x128xf32, #tpu.memory_space<vmem>>)
      %run_scoped3A = arith.constant 0 : i32
      "tpu.region"() ({
        %run_scoped3A_83 = tpu.sem_alloc : memref<!tpu.dma_semaphore, #tpu.memory_space<semaphore_mem>>
        %dma_start3A_84 = arith.constant 0 : i32
        %dma_start3A_85 = arith.constant 0 : i32
        %dma_start3A_86 = tpu.memref_slice %arg9[%dma_start3A_84, %dma_start3A_85] : memref<128x128xf32, #tpu.memory_space<vmem>> -> memref<64x128xf32, #tpu.memory_space<vmem>>
        %dma_start3A_87 = arith.constant 0 : i32
        %dma_start3A_88 = tpu.memref_slice %arg7[%run_scoped3A, %dma_start3A_87] : memref<2x64xi32, #tpu.memory_space<vmem>> -> memref<1x64xi32, #tpu.memory_space<vmem>>
        %dma_start3A_89 = tpu.memref_squeeze %dma_start3A_88 : memref<1x64xi32, #tpu.memory_space<vmem>> -> memref<64xi32, #tpu.memory_space<vmem>>
        %dma_start3A_90 = arith.constant 0 : i32
        %dma_start3A_91 = arith.constant 0 : i32
        %dma_start3A_92 = tpu.memref_slice %arg6[%dma_start3A_90, %dma_start3A_91] : memref<10248x128xf32, #tpu.memory_space<vmem_shared>> -> memref<10248x128xf32, #tpu.memory_space<vmem_shared>>
        tpu.enqueue_indirect_dma source(%dma_start3A_86 : memref<64x128xf32, #tpu.memory_space<vmem>>) target(%dma_start3A_92 : memref<10248x128xf32, #tpu.memory_space<vmem_shared>>) offsets(%dma_start3A_89 : memref<64xi32, #tpu.memory_space<vmem>>) semaphore(%run_scoped3A_83 : memref<!tpu.dma_semaphore, #tpu.memory_space<semaphore_mem>>) {add = true}
        %dma_wait3A_93 = arith.constant 0 : i32
        %dma_wait3A_94 = arith.constant 0 : i32
        %dma_wait3A_95 = tpu.memref_slice %arg9[%dma_wait3A_93, %dma_wait3A_94] : memref<128x128xf32, #tpu.memory_space<vmem>> -> memref<64x128xf32, #tpu.memory_space<vmem>>
        %dma_wait3A_96 = arith.constant 0 : i32
        %dma_wait3A_97 = tpu.memref_slice %arg7[%run_scoped3A, %dma_wait3A_96] : memref<2x64xi32, #tpu.memory_space<vmem>> -> memref<1x64xi32, #tpu.memory_space<vmem>>
        %dma_wait3A_98 = tpu.memref_squeeze %dma_wait3A_97 : memref<1x64xi32, #tpu.memory_space<vmem>> -> memref<64xi32, #tpu.memory_space<vmem>>
        %dma_wait3A_99 = arith.constant 0 : i32
        %dma_wait3A_100 = arith.constant 0 : i32
        %dma_wait3A_101 = tpu.memref_slice %arg6[%dma_wait3A_99, %dma_wait3A_100] : memref<10248x128xf32, #tpu.memory_space<vmem_shared>> -> memref<10248x128xf32, #tpu.memory_space<vmem_shared>>
        tpu.wait_indirect_dma semaphore(%run_scoped3A_83 : memref<!tpu.dma_semaphore, #tpu.memory_space<semaphore_mem>>) src(%dma_wait3A_95 : memref<64x128xf32, #tpu.memory_space<vmem>>) dst(%dma_wait3A_101 : memref<10248x128xf32, #tpu.memory_space<vmem_shared>>)
        tpu.yield
      }) : () -> ()
      %add3A_65 = arith.constant 1 : i32
      %add3A_66 = arith.addi %scan3A_39, %add3A_65 : i32
      %lt3A = arith.constant 80 : i32
      %lt3A_67 = arith.cmpi slt, %add3A_66, %lt3A : i32
      %convert_element_type3A = arith.extui %lt3A_67 : i1 to i32
      %cond3A = arith.constant 0 : i32
      %cond3A_68 = arith.cmpi ne, %convert_element_type3A, %cond3A : i32
      scf.if %cond3A_68 {
        %mul3A_83 = arith.constant 2 : i32
        %mul3A_84 = arith.muli %mul3A_83, %scan3A_39 : i32
        %add3A_85 = arith.constant 2 : i32
        %add3A_86 = arith.addi %mul3A_84, %add3A_85 : i32
        "tpu.region"() ({
          %run_scoped3A_97 = tpu.sem_alloc : memref<!tpu.dma_semaphore, #tpu.memory_space<semaphore_mem>>
          %dma_start3A_98 = arith.constant 0 : i32
          %dma_start3A_99 = arith.constant 0 : i32
          %dma_start3A_100 = tpu.memref_slice %arg8[%dma_start3A_98, %dma_start3A_99] : memref<2x64xi32, #tpu.memory_space<vmem>> -> memref<1x64xi32, #tpu.memory_space<vmem>>
          %dma_start3A_101 = arith.constant 0 : i32
          %dma_start3A_102 = tpu.memref_slice %arg3[%arg0, %arg1, %add3A_86, %dma_start3A_101] : memref<2x16x160x64xi32, #tpu.memory_space<hbm>> -> memref<1x1x1x64xi32, #tpu.memory_space<hbm>>
          %dma_start3A_103 = tpu.memref_squeeze %dma_start3A_102 : memref<1x1x1x64xi32, #tpu.memory_space<hbm>> -> memref<1x64xi32, #tpu.memory_space<hbm>>
          %dma_start3A_104 = arith.constant 0 : i32
          %dma_start3A_105 = arith.constant 0 : i32
          %dma_start3A_106 = tpu.memref_slice %arg8[%dma_start3A_104, %dma_start3A_105] : memref<2x64xi32, #tpu.memory_space<vmem>> -> memref<1x64xi32, #tpu.memory_space<vmem>>
          %dma_start3A_107 = arith.constant 0 : i32
          %dma_start3A_108 = tpu.memref_slice %arg3[%arg0, %arg1, %add3A_86, %dma_start3A_107] : memref<2x16x160x64xi32, #tpu.memory_space<hbm>> -> memref<1x1x1x64xi32, #tpu.memory_space<hbm>>
          %dma_start3A_109 = tpu.memref_squeeze %dma_start3A_108 : memref<1x1x1x64xi32, #tpu.memory_space<hbm>> -> memref<1x64xi32, #tpu.memory_space<hbm>>
          tpu.enqueue_dma source(%dma_start3A_109 : memref<1x64xi32, #tpu.memory_space<hbm>>) target(%dma_start3A_106 : memref<1x64xi32, #tpu.memory_space<vmem>>) target_semaphore(%run_scoped3A_97 : memref<!tpu.dma_semaphore, #tpu.memory_space<semaphore_mem>>)
          %dma_wait3A_110 = arith.constant 0 : i32
          %dma_wait3A_111 = arith.constant 0 : i32
          %dma_wait3A_112 = tpu.memref_slice %arg8[%dma_wait3A_110, %dma_wait3A_111] : memref<2x64xi32, #tpu.memory_space<vmem>> -> memref<1x64xi32, #tpu.memory_space<vmem>>
          %dma_wait3A_113 = arith.constant 0 : i32
          %dma_wait3A_114 = tpu.memref_slice %arg3[%arg0, %arg1, %add3A_86, %dma_wait3A_113] : memref<2x16x160x64xi32, #tpu.memory_space<hbm>> -> memref<1x1x1x64xi32, #tpu.memory_space<hbm>>
          %dma_wait3A_115 = tpu.memref_squeeze %dma_wait3A_114 : memref<1x1x1x64xi32, #tpu.memory_space<hbm>> -> memref<1x64xi32, #tpu.memory_space<hbm>>
          %dma_wait3A_116 = arith.constant 0 : i32
          %dma_wait3A_117 = arith.constant 0 : i32
          %dma_wait3A_118 = tpu.memref_slice %arg8[%dma_wait3A_116, %dma_wait3A_117] : memref<2x64xi32, #tpu.memory_space<vmem>> -> memref<1x64xi32, #tpu.memory_space<vmem>>
          %dma_wait3A_119 = arith.constant 0 : i32
          %dma_wait3A_120 = tpu.memref_slice %arg3[%arg0, %arg1, %add3A_86, %dma_wait3A_119] : memref<2x16x160x64xi32, #tpu.memory_space<hbm>> -> memref<1x1x1x64xi32, #tpu.memory_space<hbm>>
          %dma_wait3A_121 = tpu.memref_squeeze %dma_wait3A_120 : memref<1x1x1x64xi32, #tpu.memory_space<hbm>> -> memref<1x64xi32, #tpu.memory_space<hbm>>
          tpu.wait_dma2 semaphore(%run_scoped3A_97 : memref<!tpu.dma_semaphore, #tpu.memory_space<semaphore_mem>>) src(%dma_wait3A_121 : memref<1x64xi32, #tpu.memory_space<hbm>>) dst(%dma_wait3A_118 : memref<1x64xi32, #tpu.memory_space<vmem>>)
          tpu.yield
        }) : () -> ()
        "tpu.region"() ({
          %run_scoped3A_97 = tpu.sem_alloc : memref<!tpu.dma_semaphore, #tpu.memory_space<semaphore_mem>>
          %dma_start3A_98 = arith.constant 0 : i32
          %dma_start3A_99 = arith.constant 0 : i32
          %dma_start3A_100 = tpu.memref_slice %arg7[%dma_start3A_98, %dma_start3A_99] : memref<2x64xi32, #tpu.memory_space<vmem>> -> memref<1x64xi32, #tpu.memory_space<vmem>>
          %dma_start3A_101 = arith.constant 0 : i32
          %dma_start3A_102 = tpu.memref_slice %arg4[%arg1, %add3A_86, %dma_start3A_101] : memref<16x160x64xi32, #tpu.memory_space<hbm>> -> memref<1x1x64xi32, #tpu.memory_space<hbm>>
          %dma_start3A_103 = tpu.memref_squeeze %dma_start3A_102 : memref<1x1x64xi32, #tpu.memory_space<hbm>> -> memref<1x64xi32, #tpu.memory_space<hbm>>
          %dma_start3A_104 = arith.constant 0 : i32
          %dma_start3A_105 = arith.constant 0 : i32
          %dma_start3A_106 = tpu.memref_slice %arg7[%dma_start3A_104, %dma_start3A_105] : memref<2x64xi32, #tpu.memory_space<vmem>> -> memref<1x64xi32, #tpu.memory_space<vmem>>
          %dma_start3A_107 = arith.constant 0 : i32
          %dma_start3A_108 = tpu.memref_slice %arg4[%arg1, %add3A_86, %dma_start3A_107] : memref<16x160x64xi32, #tpu.memory_space<hbm>> -> memref<1x1x64xi32, #tpu.memory_space<hbm>>
          %dma_start3A_109 = tpu.memref_squeeze %dma_start3A_108 : memref<1x1x64xi32, #tpu.memory_space<hbm>> -> memref<1x64xi32, #tpu.memory_space<hbm>>
          tpu.enqueue_dma source(%dma_start3A_109 : memref<1x64xi32, #tpu.memory_space<hbm>>) target(%dma_start3A_106 : memref<1x64xi32, #tpu.memory_space<vmem>>) target_semaphore(%run_scoped3A_97 : memref<!tpu.dma_semaphore, #tpu.memory_space<semaphore_mem>>)
          %dma_wait3A_110 = arith.constant 0 : i32
          %dma_wait3A_111 = arith.constant 0 : i32
          %dma_wait3A_112 = tpu.memref_slice %arg7[%dma_wait3A_110, %dma_wait3A_111] : memref<2x64xi32, #tpu.memory_space<vmem>> -> memref<1x64xi32, #tpu.memory_space<vmem>>
          %dma_wait3A_113 = arith.constant 0 : i32
          %dma_wait3A_114 = tpu.memref_slice %arg4[%arg1, %add3A_86, %dma_wait3A_113] : memref<16x160x64xi32, #tpu.memory_space<hbm>> -> memref<1x1x64xi32, #tpu.memory_space<hbm>>
          %dma_wait3A_115 = tpu.memref_squeeze %dma_wait3A_114 : memref<1x1x64xi32, #tpu.memory_space<hbm>> -> memref<1x64xi32, #tpu.memory_space<hbm>>
          %dma_wait3A_116 = arith.constant 0 : i32
          %dma_wait3A_117 = arith.constant 0 : i32
          %dma_wait3A_118 = tpu.memref_slice %arg7[%dma_wait3A_116, %dma_wait3A_117] : memref<2x64xi32, #tpu.memory_space<vmem>> -> memref<1x64xi32, #tpu.memory_space<vmem>>
          %dma_wait3A_119 = arith.constant 0 : i32
          %dma_wait3A_120 = tpu.memref_slice %arg4[%arg1, %add3A_86, %dma_wait3A_119] : memref<16x160x64xi32, #tpu.memory_space<hbm>> -> memref<1x1x64xi32, #tpu.memory_space<hbm>>
          %dma_wait3A_121 = tpu.memref_squeeze %dma_wait3A_120 : memref<1x1x64xi32, #tpu.memory_space<hbm>> -> memref<1x64xi32, #tpu.memory_space<hbm>>
          tpu.wait_dma2 semaphore(%run_scoped3A_97 : memref<!tpu.dma_semaphore, #tpu.memory_space<semaphore_mem>>) src(%dma_wait3A_121 : memref<1x64xi32, #tpu.memory_space<hbm>>) dst(%dma_wait3A_118 : memref<1x64xi32, #tpu.memory_space<vmem>>)
          tpu.yield
        }) : () -> ()
        %dma_start3A_87 = arith.constant 0 : i32
        %dma_start3A_88 = arith.constant 0 : i32
        %dma_start3A_89 = arith.constant 0 : i32
        %dma_start3A_90 = tpu.memref_slice %arg9[%dma_start3A_88, %dma_start3A_89] : memref<128x128xf32, #tpu.memory_space<vmem>> -> memref<64x128xf32, #tpu.memory_space<vmem>>
        %dma_start3A_91 = arith.constant 0 : i32
        %dma_start3A_92 = tpu.memref_slice %arg8[%dma_start3A_87, %dma_start3A_91] : memref<2x64xi32, #tpu.memory_space<vmem>> -> memref<1x64xi32, #tpu.memory_space<vmem>>
        %dma_start3A_93 = tpu.memref_squeeze %dma_start3A_92 : memref<1x64xi32, #tpu.memory_space<vmem>> -> memref<64xi32, #tpu.memory_space<vmem>>
        %dma_start3A_94 = arith.constant 0 : i32
        %dma_start3A_95 = arith.constant 0 : i32
        %dma_start3A_96 = tpu.memref_slice %arg2[%dma_start3A_94, %dma_start3A_95] : memref<20000x128xf32, #tpu.memory_space<hbm>> -> memref<20000x128xf32, #tpu.memory_space<hbm>>
        tpu.enqueue_indirect_dma source(%dma_start3A_96 : memref<20000x128xf32, #tpu.memory_space<hbm>>) target(%dma_start3A_90 : memref<64x128xf32, #tpu.memory_space<vmem>>) offsets(%dma_start3A_93 : memref<64xi32, #tpu.memory_space<vmem>>) semaphore(%arg10 : memref<!tpu.dma_semaphore, #tpu.memory_space<semaphore_mem>>)
      } else {
      }
      %dma_wait3A_69 = arith.constant 64 : i32
      %dma_wait3A_70 = arith.constant 0 : i32
      %dma_wait3A_71 = tpu.memref_slice %arg9[%dma_wait3A_69, %dma_wait3A_70] : memref<128x128xf32, #tpu.memory_space<vmem>> -> memref<64x128xf32, #tpu.memory_space<vmem>>
      %dma_wait3A_72 = arith.constant 0 : i32
      %dma_wait3A_73 = arith.constant 0 : i32
      %dma_wait3A_74 = tpu.memref_slice %arg2[%dma_wait3A_72, %dma_wait3A_73] : memref<20000x128xf32, #tpu.memory_space<hbm>> -> memref<64x128xf32, #tpu.memory_space<hbm>>
      %dma_wait3A_75 = arith.constant 64 : i32
      %dma_wait3A_76 = arith.constant 0 : i32
      %dma_wait3A_77 = tpu.memref_slice %arg9[%dma_wait3A_75, %dma_wait3A_76] : memref<128x128xf32, #tpu.memory_space<vmem>> -> memref<64x128xf32, #tpu.memory_space<vmem>>
      %dma_wait3A_78 = arith.constant 0 : i32
      %dma_wait3A_79 = arith.constant 0 : i32
      %dma_wait3A_80 = tpu.memref_slice %arg2[%dma_wait3A_78, %dma_wait3A_79] : memref<20000x128xf32, #tpu.memory_space<hbm>> -> memref<64x128xf32, #tpu.memory_space<hbm>>
      tpu.wait_dma2 semaphore(%arg11 : memref<!tpu.dma_semaphore, #tpu.memory_space<semaphore_mem>>) src(%dma_wait3A_80 : memref<64x128xf32, #tpu.memory_space<hbm>>) dst(%dma_wait3A_77 : memref<64x128xf32, #tpu.memory_space<vmem>>)
      %run_scoped3A_81 = arith.constant 1 : i32
      "tpu.region"() ({
        %run_scoped3A_83 = tpu.sem_alloc : memref<!tpu.dma_semaphore, #tpu.memory_space<semaphore_mem>>
        %dma_start3A_84 = arith.constant 64 : i32
        %dma_start3A_85 = arith.constant 0 : i32
        %dma_start3A_86 = tpu.memref_slice %arg9[%dma_start3A_84, %dma_start3A_85] : memref<128x128xf32, #tpu.memory_space<vmem>> -> memref<64x128xf32, #tpu.memory_space<vmem>>
        %dma_start3A_87 = arith.constant 0 : i32
        %dma_start3A_88 = tpu.memref_slice %arg7[%run_scoped3A_81, %dma_start3A_87] : memref<2x64xi32, #tpu.memory_space<vmem>> -> memref<1x64xi32, #tpu.memory_space<vmem>>
        %dma_start3A_89 = tpu.memref_squeeze %dma_start3A_88 : memref<1x64xi32, #tpu.memory_space<vmem>> -> memref<64xi32, #tpu.memory_space<vmem>>
        %dma_start3A_90 = arith.constant 0 : i32
        %dma_start3A_91 = arith.constant 0 : i32
        %dma_start3A_92 = tpu.memref_slice %arg6[%dma_start3A_90, %dma_start3A_91] : memref<10248x128xf32, #tpu.memory_space<vmem_shared>> -> memref<10248x128xf32, #tpu.memory_space<vmem_shared>>
        tpu.enqueue_indirect_dma source(%dma_start3A_86 : memref<64x128xf32, #tpu.memory_space<vmem>>) target(%dma_start3A_92 : memref<10248x128xf32, #tpu.memory_space<vmem_shared>>) offsets(%dma_start3A_89 : memref<64xi32, #tpu.memory_space<vmem>>) semaphore(%run_scoped3A_83 : memref<!tpu.dma_semaphore, #tpu.memory_space<semaphore_mem>>) {add = true}
        %dma_wait3A_93 = arith.constant 64 : i32
        %dma_wait3A_94 = arith.constant 0 : i32
        %dma_wait3A_95 = tpu.memref_slice %arg9[%dma_wait3A_93, %dma_wait3A_94] : memref<128x128xf32, #tpu.memory_space<vmem>> -> memref<64x128xf32, #tpu.memory_space<vmem>>
        %dma_wait3A_96 = arith.constant 0 : i32
        %dma_wait3A_97 = tpu.memref_slice %arg7[%run_scoped3A_81, %dma_wait3A_96] : memref<2x64xi32, #tpu.memory_space<vmem>> -> memref<1x64xi32, #tpu.memory_space<vmem>>
        %dma_wait3A_98 = tpu.memref_squeeze %dma_wait3A_97 : memref<1x64xi32, #tpu.memory_space<vmem>> -> memref<64xi32, #tpu.memory_space<vmem>>
        %dma_wait3A_99 = arith.constant 0 : i32
        %dma_wait3A_100 = arith.constant 0 : i32
        %dma_wait3A_101 = tpu.memref_slice %arg6[%dma_wait3A_99, %dma_wait3A_100] : memref<10248x128xf32, #tpu.memory_space<vmem_shared>> -> memref<10248x128xf32, #tpu.memory_space<vmem_shared>>
        tpu.wait_indirect_dma semaphore(%run_scoped3A_83 : memref<!tpu.dma_semaphore, #tpu.memory_space<semaphore_mem>>) src(%dma_wait3A_95 : memref<64x128xf32, #tpu.memory_space<vmem>>) dst(%dma_wait3A_101 : memref<10248x128xf32, #tpu.memory_space<vmem_shared>>)
        tpu.yield
      }) : () -> ()
      %scan3A_82 = arith.constant 0 : i32
      scf.yield %scan3A_82 : i32
    }
    %scan3A_30 = arith.constant 80 : i32
    %barrier3A_31 = arith.constant 0 : index
    tpu.barrier barrier_id(%barrier3A_31)
    %scan3A_32 = arith.constant 0 : i32
    %scan3A_33 = arith.constant 0 : i32
    %scan3A_34 = arith.constant 10 : i32
    %scan3A_35 = arith.addi %scan3A_33, %scan3A_34 : i32
    %scan3A_36 = arith.constant 1 : i32
    %scan3A_37 = scf.for %scan3A_39 = %scan3A_33 to %scan3A_35 step %scan3A_36 iter_args(%scan3A_40 = %scan3A_32) -> (i32)  : i32 {
      %mul3A_41 = arith.constant 64 : i32
      %mul3A_42 = arith.muli %scan3A_39, %mul3A_41 : i32
      %add3A = arith.addi %mul3A_7, %mul3A_42 : i32
      "tpu.region"() ({
        %run_scoped3A = tpu.sem_alloc : memref<!tpu.dma_semaphore, #tpu.memory_space<semaphore_mem>>
        %dma_start3A_44 = arith.constant 0 : i32
        %dma_start3A_45 = arith.constant 0 : i32
        %dma_start3A_46 = tpu.memref_slice %arg9[%dma_start3A_44, %dma_start3A_45] : memref<128x128xf32, #tpu.memory_space<vmem>> -> memref<64x128xf32, #tpu.memory_space<vmem>>
        %dma_start3A_47 = arith.constant 0 : i32
        %dma_start3A_48 = tpu.memref_slice %arg6[%add3A, %dma_start3A_47] : memref<10248x128xf32, #tpu.memory_space<vmem_shared>> -> memref<64x128xf32, #tpu.memory_space<vmem_shared>>
        %dma_start3A_49 = arith.constant 0 : i32
        %dma_start3A_50 = arith.constant 0 : i32
        %dma_start3A_51 = tpu.memref_slice %arg9[%dma_start3A_49, %dma_start3A_50] : memref<128x128xf32, #tpu.memory_space<vmem>> -> memref<64x128xf32, #tpu.memory_space<vmem>>
        %dma_start3A_52 = arith.constant 0 : i32
        %dma_start3A_53 = tpu.memref_slice %arg6[%add3A, %dma_start3A_52] : memref<10248x128xf32, #tpu.memory_space<vmem_shared>> -> memref<64x128xf32, #tpu.memory_space<vmem_shared>>
        tpu.enqueue_dma source(%dma_start3A_53 : memref<64x128xf32, #tpu.memory_space<vmem_shared>>) target(%dma_start3A_51 : memref<64x128xf32, #tpu.memory_space<vmem>>) target_semaphore(%run_scoped3A : memref<!tpu.dma_semaphore, #tpu.memory_space<semaphore_mem>>)
        %dma_wait3A = arith.constant 0 : i32
        %dma_wait3A_54 = arith.constant 0 : i32
        %dma_wait3A_55 = tpu.memref_slice %arg9[%dma_wait3A, %dma_wait3A_54] : memref<128x128xf32, #tpu.memory_space<vmem>> -> memref<64x128xf32, #tpu.memory_space<vmem>>
        %dma_wait3A_56 = arith.constant 0 : i32
        %dma_wait3A_57 = tpu.memref_slice %arg6[%add3A, %dma_wait3A_56] : memref<10248x128xf32, #tpu.memory_space<vmem_shared>> -> memref<64x128xf32, #tpu.memory_space<vmem_shared>>
        %dma_wait3A_58 = arith.constant 0 : i32
        %dma_wait3A_59 = arith.constant 0 : i32
        %dma_wait3A_60 = tpu.memref_slice %arg9[%dma_wait3A_58, %dma_wait3A_59] : memref<128x128xf32, #tpu.memory_space<vmem>> -> memref<64x128xf32, #tpu.memory_space<vmem>>
        %dma_wait3A_61 = arith.constant 0 : i32
        %dma_wait3A_62 = tpu.memref_slice %arg6[%add3A, %dma_wait3A_61] : memref<10248x128xf32, #tpu.memory_space<vmem_shared>> -> memref<64x128xf32, #tpu.memory_space<vmem_shared>>
        tpu.wait_dma2 semaphore(%run_scoped3A : memref<!tpu.dma_semaphore, #tpu.memory_space<semaphore_mem>>) src(%dma_wait3A_62 : memref<64x128xf32, #tpu.memory_space<vmem_shared>>) dst(%dma_wait3A_60 : memref<64x128xf32, #tpu.memory_space<vmem>>)
        tpu.yield
      }) : () -> ()
      "tpu.region"() ({
        %run_scoped3A = tpu.sem_alloc : memref<!tpu.dma_semaphore, #tpu.memory_space<semaphore_mem>>
        %dma_start3A_44 = arith.constant 0 : i32
        %dma_start3A_45 = arith.constant 0 : i32
        %dma_start3A_46 = tpu.memref_slice %arg9[%dma_start3A_44, %dma_start3A_45] : memref<128x128xf32, #tpu.memory_space<vmem>> -> memref<64x128xf32, #tpu.memory_space<vmem>>
        %dma_start3A_47 = arith.constant 0 : i32
        %dma_start3A_48 = tpu.memref_slice %arg5[%arg0, %add3A, %dma_start3A_47] : memref<2x10240x128xf32, #tpu.memory_space<hbm>> -> memref<1x64x128xf32, #tpu.memory_space<hbm>>
        %dma_start3A_49 = tpu.memref_squeeze %dma_start3A_48 : memref<1x64x128xf32, #tpu.memory_space<hbm>> -> memref<64x128xf32, #tpu.memory_space<hbm>>
        %dma_start3A_50 = arith.constant 0 : i32
        %dma_start3A_51 = tpu.memref_slice %arg5[%arg0, %add3A, %dma_start3A_50] : memref<2x10240x128xf32, #tpu.memory_space<hbm>> -> memref<1x64x128xf32, #tpu.memory_space<hbm>>
        %dma_start3A_52 = tpu.memref_squeeze %dma_start3A_51 : memref<1x64x128xf32, #tpu.memory_space<hbm>> -> memref<64x128xf32, #tpu.memory_space<hbm>>
        %dma_start3A_53 = arith.constant 0 : i32
        %dma_start3A_54 = arith.constant 0 : i32
        %dma_start3A_55 = tpu.memref_slice %arg9[%dma_start3A_53, %dma_start3A_54] : memref<128x128xf32, #tpu.memory_space<vmem>> -> memref<64x128xf32, #tpu.memory_space<vmem>>
        tpu.enqueue_dma source(%dma_start3A_55 : memref<64x128xf32, #tpu.memory_space<vmem>>) target(%dma_start3A_52 : memref<64x128xf32, #tpu.memory_space<hbm>>) target_semaphore(%run_scoped3A : memref<!tpu.dma_semaphore, #tpu.memory_space<semaphore_mem>>)
        %dma_wait3A = arith.constant 0 : i32
        %dma_wait3A_56 = arith.constant 0 : i32
        %dma_wait3A_57 = tpu.memref_slice %arg9[%dma_wait3A, %dma_wait3A_56] : memref<128x128xf32, #tpu.memory_space<vmem>> -> memref<64x128xf32, #tpu.memory_space<vmem>>
        %dma_wait3A_58 = arith.constant 0 : i32
        %dma_wait3A_59 = tpu.memref_slice %arg5[%arg0, %add3A, %dma_wait3A_58] : memref<2x10240x128xf32, #tpu.memory_space<hbm>> -> memref<1x64x128xf32, #tpu.memory_space<hbm>>
        %dma_wait3A_60 = tpu.memref_squeeze %dma_wait3A_59 : memref<1x64x128xf32, #tpu.memory_space<hbm>> -> memref<64x128xf32, #tpu.memory_space<hbm>>
        %dma_wait3A_61 = arith.constant 0 : i32
        %dma_wait3A_62 = tpu.memref_slice %arg5[%arg0, %add3A, %dma_wait3A_61] : memref<2x10240x128xf32, #tpu.memory_space<hbm>> -> memref<1x64x128xf32, #tpu.memory_space<hbm>>
        %dma_wait3A_63 = tpu.memref_squeeze %dma_wait3A_62 : memref<1x64x128xf32, #tpu.memory_space<hbm>> -> memref<64x128xf32, #tpu.memory_space<hbm>>
        %dma_wait3A_64 = arith.constant 0 : i32
        %dma_wait3A_65 = arith.constant 0 : i32
        %dma_wait3A_66 = tpu.memref_slice %arg9[%dma_wait3A_64, %dma_wait3A_65] : memref<128x128xf32, #tpu.memory_space<vmem>> -> memref<64x128xf32, #tpu.memory_space<vmem>>
        tpu.wait_dma2 semaphore(%run_scoped3A : memref<!tpu.dma_semaphore, #tpu.memory_space<semaphore_mem>>) src(%dma_wait3A_66 : memref<64x128xf32, #tpu.memory_space<vmem>>) dst(%dma_wait3A_63 : memref<64x128xf32, #tpu.memory_space<hbm>>)
        tpu.yield
      }) : () -> ()
      %scan3A_43 = arith.constant 0 : i32
      scf.yield %scan3A_43 : i32
    }
    %scan3A_38 = arith.constant 10 : i32
    return
  }
}

#map = affine_map<(d0, d1) -> (0, 0, 0)>
module attributes {stable_mosaic.version = 14 : i64} {
  func.func @_sc_count(%arg0: i32, %arg1: i32, %arg2: memref<32x40x128xi32, #tpu.memory_space<hbm>>, %arg3: memref<2x10240x128xf32, #tpu.memory_space<hbm>>, %arg4: memref<10248x128xf32, #tpu.memory_space<vmem_shared>>, %arg5: memref<1x128xi32, #tpu.memory_space<vmem>>, %arg6: memref<128x128xf32, #tpu.memory_space<vmem>>) attributes {dimension_semantics = [#tpu.dimension_semantics<core_parallel>, #tpu.dimension_semantics<subcore_parallel>], iteration_bounds = array<i64: 2, 16>, scalar_prefetch = 0 : i64, scratch_operands = 3 : i64, tpu.core_type = #tpu.core_type<sc_vector_subcore>, window_params = [{transform_indices = #map}, {transform_indices = #map}]} {
    %mul3A = arith.constant 16 : i32
    %mul3A_0 = arith.muli %arg0, %mul3A : i32
    %add3A = arith.addi %mul3A_0, %arg1 : i32
    %broadcast_in_dim3A = arith.constant 0.000000e+00 : f32
    %broadcast_in_dim3A_1 = vector.broadcast %broadcast_in_dim3A : f32 to vector<16xf32>
    %broadcast_in_dim3A_2 = arith.constant 1.000000e+00 : f32
    %broadcast_in_dim3A_3 = vector.broadcast %broadcast_in_dim3A_2 : f32 to vector<16xf32>
    %scan3A = arith.constant 0 : i32
    %scan3A_4 = arith.constant 0 : i32
    %scan3A_5 = arith.constant 128 : i32
    %scan3A_6 = arith.addi %scan3A_4, %scan3A_5 : i32
    %scan3A_7 = arith.constant 1 : i32
    %scan3A_8 = scf.for %scan3A_41 = %scan3A_4 to %scan3A_6 step %scan3A_7 iter_args(%scan3A_42 = %scan3A) -> (i32)  : i32 {
      %scan3A_43 = arith.constant 0 : i32
      %scan3A_44 = arith.constant 0 : i32
      %scan3A_45 = arith.constant 8 : i32
      %scan3A_46 = arith.addi %scan3A_44, %scan3A_45 : i32
      %scan3A_47 = arith.constant 1 : i32
      %scan3A_48 = scf.for %scan3A_51 = %scan3A_44 to %scan3A_46 step %scan3A_47 iter_args(%scan3A_52 = %scan3A_43) -> (i32)  : i32 {
        %mul3A_53 = arith.constant 16 : i32
        %mul3A_54 = arith.muli %scan3A_51, %mul3A_53 : i32
        %swap3A = arith.index_cast %scan3A_41 : i32 to index
        %swap3A_55 = arith.index_cast %mul3A_54 : i32 to index
        %swap3A_56 = tpu.vector_load %arg6[%swap3A, %swap3A_55] {strides = array<i32>} : memref<128x128xf32, #tpu.memory_space<vmem>>, vector<1x16xf32>,
        %swap3A_57 = vector.shape_cast %swap3A_56 : vector<1x16xf32> to vector<16xf32>
        %swap3A_58 = vector.shape_cast %broadcast_in_dim3A_1 : vector<16xf32> to vector<1x16xf32>
        tpu.vector_store %arg6[%swap3A, %swap3A_55], %swap3A_58 {strides = array<i32>} : memref<128x128xf32, #tpu.memory_space<vmem>>, vector<1x16xf32>,
        %scan3A_59 = arith.constant 0 : i32
        scf.yield %scan3A_59 : i32
      }
      %scan3A_49 = arith.constant 8 : i32
      %scan3A_50 = arith.constant 0 : i32
      scf.yield %scan3A_50 : i32
    }
    %scan3A_9 = arith.constant 128 : i32
    %mul3A_10 = arith.constant 640 : i32
    %mul3A_11 = arith.muli %arg1, %mul3A_10 : i32
    %scan3A_12 = arith.constant 0 : i32
    %scan3A_13 = arith.constant 0 : i32
    %scan3A_14 = arith.constant 5 : i32
    %scan3A_15 = arith.addi %scan3A_13, %scan3A_14 : i32
    %scan3A_16 = arith.constant 1 : i32
    %scan3A_17 = scf.for %scan3A_41 = %scan3A_13 to %scan3A_15 step %scan3A_16 iter_args(%scan3A_42 = %scan3A_12) -> (i32)  : i32 {
      %mul3A_43 = arith.constant 128 : i32
      %mul3A_44 = arith.muli %scan3A_41, %mul3A_43 : i32
      %add3A_45 = arith.addi %mul3A_11, %mul3A_44 : i32
      "tpu.region"() ({
        %run_scoped3A = tpu.sem_alloc : memref<!tpu.dma_semaphore, #tpu.memory_space<semaphore_mem>>
        %dma_start3A = arith.constant 0 : i32
        %dma_start3A_47 = tpu.memref_slice %arg4[%add3A_45, %dma_start3A] : memref<10248x128xf32, #tpu.memory_space<vmem_shared>> -> memref<128x128xf32, #tpu.memory_space<vmem_shared>>
        %dma_start3A_48 = arith.constant 0 : i32
        %dma_start3A_49 = tpu.memref_slice %arg4[%add3A_45, %dma_start3A_48] : memref<10248x128xf32, #tpu.memory_space<vmem_shared>> -> memref<128x128xf32, #tpu.memory_space<vmem_shared>>
        tpu.enqueue_dma source(%arg6 : memref<128x128xf32, #tpu.memory_space<vmem>>) target(%dma_start3A_49 : memref<128x128xf32, #tpu.memory_space<vmem_shared>>) target_semaphore(%run_scoped3A : memref<!tpu.dma_semaphore, #tpu.memory_space<semaphore_mem>>)
        %dma_wait3A = arith.constant 0 : i32
        %dma_wait3A_50 = tpu.memref_slice %arg4[%add3A_45, %dma_wait3A] : memref<10248x128xf32, #tpu.memory_space<vmem_shared>> -> memref<128x128xf32, #tpu.memory_space<vmem_shared>>
        %dma_wait3A_51 = arith.constant 0 : i32
        %dma_wait3A_52 = tpu.memref_slice %arg4[%add3A_45, %dma_wait3A_51] : memref<10248x128xf32, #tpu.memory_space<vmem_shared>> -> memref<128x128xf32, #tpu.memory_space<vmem_shared>>
        tpu.wait_dma2 semaphore(%run_scoped3A : memref<!tpu.dma_semaphore, #tpu.memory_space<semaphore_mem>>) src(%arg6 : memref<128x128xf32, #tpu.memory_space<vmem>>) dst(%dma_wait3A_52 : memref<128x128xf32, #tpu.memory_space<vmem_shared>>)
        tpu.yield
      }) : () -> ()
      %scan3A_46 = arith.constant 0 : i32
      scf.yield %scan3A_46 : i32
    }
    %scan3A_18 = arith.constant 5 : i32
    %scan3A_19 = arith.constant 0 : i32
    %scan3A_20 = arith.constant 0 : i32
    %scan3A_21 = arith.constant 128 : i32
    %scan3A_22 = arith.addi %scan3A_20, %scan3A_21 : i32
    %scan3A_23 = arith.constant 1 : i32
    %scan3A_24 = scf.for %scan3A_41 = %scan3A_20 to %scan3A_22 step %scan3A_23 iter_args(%scan3A_42 = %scan3A_19) -> (i32)  : i32 {
      %scan3A_43 = arith.constant 0 : i32
      %scan3A_44 = arith.constant 0 : i32
      %scan3A_45 = arith.constant 8 : i32
      %scan3A_46 = arith.addi %scan3A_44, %scan3A_45 : i32
      %scan3A_47 = arith.constant 1 : i32
      %scan3A_48 = scf.for %scan3A_51 = %scan3A_44 to %scan3A_46 step %scan3A_47 iter_args(%scan3A_52 = %scan3A_43) -> (i32)  : i32 {
        %mul3A_53 = arith.constant 16 : i32
        %mul3A_54 = arith.muli %scan3A_51, %mul3A_53 : i32
        %swap3A = arith.index_cast %scan3A_41 : i32 to index
        %swap3A_55 = arith.index_cast %mul3A_54 : i32 to index
        %swap3A_56 = tpu.vector_load %arg6[%swap3A, %swap3A_55] {strides = array<i32>} : memref<128x128xf32, #tpu.memory_space<vmem>>, vector<1x16xf32>,
        %swap3A_57 = vector.shape_cast %swap3A_56 : vector<1x16xf32> to vector<16xf32>
        %swap3A_58 = vector.shape_cast %broadcast_in_dim3A_3 : vector<16xf32> to vector<1x16xf32>
        tpu.vector_store %arg6[%swap3A, %swap3A_55], %swap3A_58 {strides = array<i32>} : memref<128x128xf32, #tpu.memory_space<vmem>>, vector<1x16xf32>,
        %scan3A_59 = arith.constant 0 : i32
        scf.yield %scan3A_59 : i32
      }
      %scan3A_49 = arith.constant 8 : i32
      %scan3A_50 = arith.constant 0 : i32
      scf.yield %scan3A_50 : i32
    }
    %scan3A_25 = arith.constant 128 : i32
    %barrier3A = arith.constant 0 : index
    tpu.barrier barrier_id(%barrier3A)
    %scan3A_26 = arith.constant 0 : i32
    %scan3A_27 = arith.constant 0 : i32
    %scan3A_28 = arith.constant 40 : i32
    %scan3A_29 = arith.addi %scan3A_27, %scan3A_28 : i32
    %scan3A_30 = arith.constant 1 : i32
    %scan3A_31 = scf.for %scan3A_41 = %scan3A_27 to %scan3A_29 step %scan3A_30 iter_args(%scan3A_42 = %scan3A_26) -> (i32)  : i32 {
      "tpu.region"() ({
        %run_scoped3A_44 = tpu.sem_alloc : memref<!tpu.dma_semaphore, #tpu.memory_space<semaphore_mem>>
        %dma_start3A = arith.constant 0 : i32
        %dma_start3A_45 = tpu.memref_slice %arg2[%add3A, %scan3A_41, %dma_start3A] : memref<32x40x128xi32, #tpu.memory_space<hbm>> -> memref<1x1x128xi32, #tpu.memory_space<hbm>>
        %dma_start3A_46 = tpu.memref_squeeze %dma_start3A_45 : memref<1x1x128xi32, #tpu.memory_space<hbm>> -> memref<1x128xi32, #tpu.memory_space<hbm>>
        %dma_start3A_47 = arith.constant 0 : i32
        %dma_start3A_48 = tpu.memref_slice %arg2[%add3A, %scan3A_41, %dma_start3A_47] : memref<32x40x128xi32, #tpu.memory_space<hbm>> -> memref<1x1x128xi32, #tpu.memory_space<hbm>>
        %dma_start3A_49 = tpu.memref_squeeze %dma_start3A_48 : memref<1x1x128xi32, #tpu.memory_space<hbm>> -> memref<1x128xi32, #tpu.memory_space<hbm>>
        tpu.enqueue_dma source(%dma_start3A_49 : memref<1x128xi32, #tpu.memory_space<hbm>>) target(%arg5 : memref<1x128xi32, #tpu.memory_space<vmem>>) target_semaphore(%run_scoped3A_44 : memref<!tpu.dma_semaphore, #tpu.memory_space<semaphore_mem>>)
        %dma_wait3A = arith.constant 0 : i32
        %dma_wait3A_50 = tpu.memref_slice %arg2[%add3A, %scan3A_41, %dma_wait3A] : memref<32x40x128xi32, #tpu.memory_space<hbm>> -> memref<1x1x128xi32, #tpu.memory_space<hbm>>
        %dma_wait3A_51 = tpu.memref_squeeze %dma_wait3A_50 : memref<1x1x128xi32, #tpu.memory_space<hbm>> -> memref<1x128xi32, #tpu.memory_space<hbm>>
        %dma_wait3A_52 = arith.constant 0 : i32
        %dma_wait3A_53 = tpu.memref_slice %arg2[%add3A, %scan3A_41, %dma_wait3A_52] : memref<32x40x128xi32, #tpu.memory_space<hbm>> -> memref<1x1x128xi32, #tpu.memory_space<hbm>>
        %dma_wait3A_54 = tpu.memref_squeeze %dma_wait3A_53 : memref<1x1x128xi32, #tpu.memory_space<hbm>> -> memref<1x128xi32, #tpu.memory_space<hbm>>
        tpu.wait_dma2 semaphore(%run_scoped3A_44 : memref<!tpu.dma_semaphore, #tpu.memory_space<semaphore_mem>>) src(%dma_wait3A_54 : memref<1x128xi32, #tpu.memory_space<hbm>>) dst(%arg5 : memref<1x128xi32, #tpu.memory_space<vmem>>)
        tpu.yield
      }) : () -> ()
      %run_scoped3A = arith.constant 0 : i32
      "tpu.region"() ({
        %run_scoped3A_44 = tpu.sem_alloc : memref<!tpu.dma_semaphore, #tpu.memory_space<semaphore_mem>>
        %dma_start3A = arith.constant 0 : i32
        %dma_start3A_45 = tpu.memref_slice %arg5[%run_scoped3A, %dma_start3A] : memref<1x128xi32, #tpu.memory_space<vmem>> -> memref<1x128xi32, #tpu.memory_space<vmem>>
        %dma_start3A_46 = tpu.memref_squeeze %dma_start3A_45 : memref<1x128xi32, #tpu.memory_space<vmem>> -> memref<128xi32, #tpu.memory_space<vmem>>
        %dma_start3A_47 = arith.constant 0 : i32
        %dma_start3A_48 = arith.constant 0 : i32
        %dma_start3A_49 = tpu.memref_slice %arg4[%dma_start3A_47, %dma_start3A_48] : memref<10248x128xf32, #tpu.memory_space<vmem_shared>> -> memref<10248x128xf32, #tpu.memory_space<vmem_shared>>
        tpu.enqueue_indirect_dma source(%arg6 : memref<128x128xf32, #tpu.memory_space<vmem>>) target(%dma_start3A_49 : memref<10248x128xf32, #tpu.memory_space<vmem_shared>>) offsets(%dma_start3A_46 : memref<128xi32, #tpu.memory_space<vmem>>) semaphore(%run_scoped3A_44 : memref<!tpu.dma_semaphore, #tpu.memory_space<semaphore_mem>>) {add = true}
        %dma_wait3A = arith.constant 0 : i32
        %dma_wait3A_50 = tpu.memref_slice %arg5[%run_scoped3A, %dma_wait3A] : memref<1x128xi32, #tpu.memory_space<vmem>> -> memref<1x128xi32, #tpu.memory_space<vmem>>
        %dma_wait3A_51 = tpu.memref_squeeze %dma_wait3A_50 : memref<1x128xi32, #tpu.memory_space<vmem>> -> memref<128xi32, #tpu.memory_space<vmem>>
        %dma_wait3A_52 = arith.constant 0 : i32
        %dma_wait3A_53 = arith.constant 0 : i32
        %dma_wait3A_54 = tpu.memref_slice %arg4[%dma_wait3A_52, %dma_wait3A_53] : memref<10248x128xf32, #tpu.memory_space<vmem_shared>> -> memref<10248x128xf32, #tpu.memory_space<vmem_shared>>
        tpu.wait_indirect_dma semaphore(%run_scoped3A_44 : memref<!tpu.dma_semaphore, #tpu.memory_space<semaphore_mem>>) src(%arg6 : memref<128x128xf32, #tpu.memory_space<vmem>>) dst(%dma_wait3A_54 : memref<10248x128xf32, #tpu.memory_space<vmem_shared>>)
        tpu.yield
      }) : () -> ()
      %scan3A_43 = arith.constant 0 : i32
      scf.yield %scan3A_43 : i32
    }
    %scan3A_32 = arith.constant 40 : i32
    %barrier3A_33 = arith.constant 0 : index
    tpu.barrier barrier_id(%barrier3A_33)
    %scan3A_34 = arith.constant 0 : i32
    %scan3A_35 = arith.constant 0 : i32
    %scan3A_36 = arith.constant 5 : i32
    %scan3A_37 = arith.addi %scan3A_35, %scan3A_36 : i32
    %scan3A_38 = arith.constant 1 : i32
    %scan3A_39 = scf.for %scan3A_41 = %scan3A_35 to %scan3A_37 step %scan3A_38 iter_args(%scan3A_42 = %scan3A_34) -> (i32)  : i32 {
      %mul3A_43 = arith.constant 128 : i32
      %mul3A_44 = arith.muli %scan3A_41, %mul3A_43 : i32
      %add3A_45 = arith.addi %mul3A_11, %mul3A_44 : i32
      "tpu.region"() ({
        %run_scoped3A = tpu.sem_alloc : memref<!tpu.dma_semaphore, #tpu.memory_space<semaphore_mem>>
        %dma_start3A = arith.constant 0 : i32
        %dma_start3A_47 = tpu.memref_slice %arg4[%add3A_45, %dma_start3A] : memref<10248x128xf32, #tpu.memory_space<vmem_shared>> -> memref<128x128xf32, #tpu.memory_space<vmem_shared>>
        %dma_start3A_48 = arith.constant 0 : i32
        %dma_start3A_49 = tpu.memref_slice %arg4[%add3A_45, %dma_start3A_48] : memref<10248x128xf32, #tpu.memory_space<vmem_shared>> -> memref<128x128xf32, #tpu.memory_space<vmem_shared>>
        tpu.enqueue_dma source(%dma_start3A_49 : memref<128x128xf32, #tpu.memory_space<vmem_shared>>) target(%arg6 : memref<128x128xf32, #tpu.memory_space<vmem>>) target_semaphore(%run_scoped3A : memref<!tpu.dma_semaphore, #tpu.memory_space<semaphore_mem>>)
        %dma_wait3A = arith.constant 0 : i32
        %dma_wait3A_50 = tpu.memref_slice %arg4[%add3A_45, %dma_wait3A] : memref<10248x128xf32, #tpu.memory_space<vmem_shared>> -> memref<128x128xf32, #tpu.memory_space<vmem_shared>>
        %dma_wait3A_51 = arith.constant 0 : i32
        %dma_wait3A_52 = tpu.memref_slice %arg4[%add3A_45, %dma_wait3A_51] : memref<10248x128xf32, #tpu.memory_space<vmem_shared>> -> memref<128x128xf32, #tpu.memory_space<vmem_shared>>
        tpu.wait_dma2 semaphore(%run_scoped3A : memref<!tpu.dma_semaphore, #tpu.memory_space<semaphore_mem>>) src(%dma_wait3A_52 : memref<128x128xf32, #tpu.memory_space<vmem_shared>>) dst(%arg6 : memref<128x128xf32, #tpu.memory_space<vmem>>)
        tpu.yield
      }) : () -> ()
      "tpu.region"() ({
        %run_scoped3A = tpu.sem_alloc : memref<!tpu.dma_semaphore, #tpu.memory_space<semaphore_mem>>
        %dma_start3A = arith.constant 0 : i32
        %dma_start3A_47 = tpu.memref_slice %arg3[%arg0, %add3A_45, %dma_start3A] : memref<2x10240x128xf32, #tpu.memory_space<hbm>> -> memref<1x128x128xf32, #tpu.memory_space<hbm>>
        %dma_start3A_48 = tpu.memref_squeeze %dma_start3A_47 : memref<1x128x128xf32, #tpu.memory_space<hbm>> -> memref<128x128xf32, #tpu.memory_space<hbm>>
        %dma_start3A_49 = arith.constant 0 : i32
        %dma_start3A_50 = tpu.memref_slice %arg3[%arg0, %add3A_45, %dma_start3A_49] : memref<2x10240x128xf32, #tpu.memory_space<hbm>> -> memref<1x128x128xf32, #tpu.memory_space<hbm>>
        %dma_start3A_51 = tpu.memref_squeeze %dma_start3A_50 : memref<1x128x128xf32, #tpu.memory_space<hbm>> -> memref<128x128xf32, #tpu.memory_space<hbm>>
        tpu.enqueue_dma source(%arg6 : memref<128x128xf32, #tpu.memory_space<vmem>>) target(%dma_start3A_51 : memref<128x128xf32, #tpu.memory_space<hbm>>) target_semaphore(%run_scoped3A : memref<!tpu.dma_semaphore, #tpu.memory_space<semaphore_mem>>)
        %dma_wait3A = arith.constant 0 : i32
        %dma_wait3A_52 = tpu.memref_slice %arg3[%arg0, %add3A_45, %dma_wait3A] : memref<2x10240x128xf32, #tpu.memory_space<hbm>> -> memref<1x128x128xf32, #tpu.memory_space<hbm>>
        %dma_wait3A_53 = tpu.memref_squeeze %dma_wait3A_52 : memref<1x128x128xf32, #tpu.memory_space<hbm>> -> memref<128x128xf32, #tpu.memory_space<hbm>>
        %dma_wait3A_54 = arith.constant 0 : i32
        %dma_wait3A_55 = tpu.memref_slice %arg3[%arg0, %add3A_45, %dma_wait3A_54] : memref<2x10240x128xf32, #tpu.memory_space<hbm>> -> memref<1x128x128xf32, #tpu.memory_space<hbm>>
        %dma_wait3A_56 = tpu.memref_squeeze %dma_wait3A_55 : memref<1x128x128xf32, #tpu.memory_space<hbm>> -> memref<128x128xf32, #tpu.memory_space<hbm>>
        tpu.wait_dma2 semaphore(%run_scoped3A : memref<!tpu.dma_semaphore, #tpu.memory_space<semaphore_mem>>) src(%arg6 : memref<128x128xf32, #tpu.memory_space<vmem>>) dst(%dma_wait3A_56 : memref<128x128xf32, #tpu.memory_space<hbm>>)
        tpu.yield
      }) : () -> ()
      %scan3A_46 = arith.constant 0 : i32
      scf.yield %scan3A_46 : i32
    }
    %scan3A_40 = arith.constant 5 : i32
    return
  }
}

module attributes {stable_mosaic.version = 14 : i64} {
  func.func @_dense_body(%arg0: i32, %arg1: memref<1000x256xf32, #tpu.memory_space<vmem>>, %arg2: memref<1000x128xf32, #tpu.memory_space<vmem>>, %arg3: memref<1000x128xf32, #tpu.memory_space<vmem>>, %arg4: memref<1000x16xf32, #tpu.memory_space<vmem>>, %arg5: memref<1000x16xf32, #tpu.memory_space<vmem>>, %arg6: memref<256x256xf32, #tpu.memory_space<vmem>>, %arg7: memref<1x256xf32, #tpu.memory_space<vmem>>, %arg8: memref<256x256xf32, #tpu.memory_space<vmem>>, %arg9: memref<1x256xf32, #tpu.memory_space<vmem>>, %arg10: memref<256x256xf32, #tpu.memory_space<vmem>>, %arg11: memref<1x256xf32, #tpu.memory_space<vmem>>, %arg12: memref<1x256xf32, #tpu.memory_space<vmem>>, %arg13: memref<1x1xf32, #tpu.memory_space<vmem>>, %arg14: memref<1x256xf32, #tpu.memory_space<vmem>>, %arg15: memref<1x1xf32, #tpu.memory_space<vmem>>, %arg16: memref<1x256xf32, #tpu.memory_space<vmem>>, %arg17: memref<1x1xf32, #tpu.memory_space<vmem>>, %arg18: memref<1000x256xf32, #tpu.memory_space<vmem>>) attributes {dimension_semantics = [#tpu.dimension_semantics<arbitrary>], iteration_bounds = array<i64: 10>, scalar_prefetch = 0 : i64, scratch_operands = 0 : i64, tpu.core_type = #tpu.core_type<tc>, window_params = [{transform_indices = @transform_0, window_bounds = array<i64: 1000, 256>}, {transform_indices = @transform_1, window_bounds = array<i64: 1000, 128>}, {transform_indices = @transform_2, window_bounds = array<i64: 1000, 128>}, {transform_indices = @transform_3, window_bounds = array<i64: 1000, 16>}, {transform_indices = @transform_4, window_bounds = array<i64: 1000, 16>}, {pipeline_mode = #tpu.pipeline_mode<synchronous>, transform_indices = @transform_5, window_bounds = array<i64: 256, 256>}, {pipeline_mode = #tpu.pipeline_mode<synchronous>, transform_indices = @transform_6, window_bounds = array<i64: 1, 256>}, {pipeline_mode = #tpu.pipeline_mode<synchronous>, transform_indices = @transform_7, window_bounds = array<i64: 256, 256>}, {pipeline_mode = #tpu.pipeline_mode<synchronous>, transform_indices = @transform_8, window_bounds = array<i64: 1, 256>}, {pipeline_mode = #tpu.pipeline_mode<synchronous>, transform_indices = @transform_9, window_bounds = array<i64: 256, 256>}, {pipeline_mode = #tpu.pipeline_mode<synchronous>, transform_indices = @transform_10, window_bounds = array<i64: 1, 256>}, {pipeline_mode = #tpu.pipeline_mode<synchronous>, transform_indices = @transform_11, window_bounds = array<i64: 1, 256>}, {pipeline_mode = #tpu.pipeline_mode<synchronous>, transform_indices = @transform_12, window_bounds = array<i64: 1, 1>}, {pipeline_mode = #tpu.pipeline_mode<synchronous>, transform_indices = @transform_13, window_bounds = array<i64: 1, 256>}, {pipeline_mode = #tpu.pipeline_mode<synchronous>, transform_indices = @transform_14, window_bounds = array<i64: 1, 1>}, {pipeline_mode = #tpu.pipeline_mode<synchronous>, transform_indices = @transform_15, window_bounds = array<i64: 1, 256>}, {pipeline_mode = #tpu.pipeline_mode<synchronous>, transform_indices = @transform_16, window_bounds = array<i64: 1, 1>}, {transform_indices = @transform_17, window_bounds = array<i64: 1000, 256>}]} {
    %get3A = arith.constant 0 : index
    %get3A_0 = arith.constant 0 : index
    %get3A_1 = vector.load %arg1[%get3A, %get3A_0] : memref<1000x256xf32, #tpu.memory_space<vmem>>, vector<1000x256xf32>
    %get3A_2 = arith.constant 0 : index
    %get3A_3 = arith.constant 0 : index
    %get3A_4 = vector.load %arg4[%get3A_2, %get3A_3] : memref<1000x16xf32, #tpu.memory_space<vmem>>, vector<1000x1xf32>
    %get3A_5 = arith.constant 0 : index
    %get3A_6 = arith.constant 0 : index
    %get3A_7 = vector.load %arg5[%get3A_5, %get3A_6] : memref<1000x16xf32, #tpu.memory_space<vmem>>, vector<1000x1xf32>
    %add3A = arith.addf %get3A_4, %get3A_7 : vector<1000x1xf32>
    %max3A = arith.constant 1.000000e+00 : f32
    %max3A_8 = vector.broadcast %max3A : f32 to vector<1000x1xf32>
    %max3A_9 = arith.maximumf %add3A, %max3A_8 : vector<1000x1xf32>
    %div3A = arith.constant 1.000000e+00 : f32
    %div3A_10 = vector.broadcast %div3A : f32 to vector<1000x1xf32>
    %div3A_11 = arith.divf %div3A_10, %max3A_9 : vector<1000x1xf32>
    %get3A_12 = arith.constant 0 : index
    %get3A_13 = arith.constant 0 : index
    %get3A_14 = vector.load %arg2[%get3A_12, %get3A_13] : memref<1000x128xf32, #tpu.memory_space<vmem>>, vector<1000x128xf32>
    %get3A_15 = arith.constant 0 : index
    %get3A_16 = arith.constant 0 : index
    %get3A_17 = vector.load %arg3[%get3A_15, %get3A_16] : memref<1000x128xf32, #tpu.memory_space<vmem>>, vector<1000x128xf32>
    %concatenate3A = tpu.concatenate %get3A_14, %get3A_17 in 1 : vector<1000x128xf32>, vector<1000x128xf32> -> vector<1000x256xf32>
    %mul3A = vector.broadcast %div3A_11 : vector<1000x1xf32> to vector<1000x256xf32>
    %mul3A_18 = arith.mulf %concatenate3A, %mul3A : vector<1000x256xf32>
    %get3A_19 = arith.constant 0 : index
    %get3A_20 = arith.constant 0 : index
    %get3A_21 = vector.load %arg6[%get3A_19, %get3A_20] : memref<256x256xf32, #tpu.memory_space<vmem>>, vector<256x256xf32>
    %dot_general3A = arith.constant dense<0.000000e+00> : vector<1000x256xf32>
    %dot_general3A_22 = tpu.matmul %get3A_1, %get3A_21, %dot_general3A {dimension_numbers = #tpu.dot_dimension_numbers<[1], [0], [0], [1], [0, 0, 1, 1], [], []>, transpose_lhs_hint = false} : vector<1000x256xf32>, vector<256x256xf32>, vector<1000x256xf32> -> vector<1000x256xf32>
    %get3A_23 = arith.constant 0 : index
    %get3A_24 = arith.constant 0 : index
    %get3A_25 = vector.load %arg7[%get3A_23, %get3A_24] : memref<1x256xf32, #tpu.memory_space<vmem>>, vector<1x256xf32>
    %add3A_26 = vector.broadcast %get3A_25 : vector<1x256xf32> to vector<1000x256xf32>
    %add3A_27 = arith.addf %dot_general3A_22, %add3A_26 : vector<1000x256xf32>
    %get3A_28 = arith.constant 0 : index
    %get3A_29 = arith.constant 0 : index
    %get3A_30 = vector.load %arg8[%get3A_28, %get3A_29] : memref<256x256xf32, #tpu.memory_space<vmem>>, vector<256x256xf32>
    %dot_general3A_31 = arith.constant dense<0.000000e+00> : vector<1000x256xf32>
    %dot_general3A_32 = tpu.matmul %mul3A_18, %get3A_30, %dot_general3A_31 {dimension_numbers = #tpu.dot_dimension_numbers<[1], [0], [0], [1], [0, 0, 1, 1], [], []>, transpose_lhs_hint = false} : vector<1000x256xf32>, vector<256x256xf32>, vector<1000x256xf32> -> vector<1000x256xf32>
    %get3A_33 = arith.constant 0 : index
    %get3A_34 = arith.constant 0 : index
    %get3A_35 = vector.load %arg9[%get3A_33, %get3A_34] : memref<1x256xf32, #tpu.memory_space<vmem>>, vector<1x256xf32>
    %add3A_36 = vector.broadcast %get3A_35 : vector<1x256xf32> to vector<1000x256xf32>
    %add3A_37 = arith.addf %dot_general3A_32, %add3A_36 : vector<1000x256xf32>
    %get3A_38 = arith.constant 0 : index
    %get3A_39 = arith.constant 0 : index
    %get3A_40 = vector.load %arg10[%get3A_38, %get3A_39] : memref<256x256xf32, #tpu.memory_space<vmem>>, vector<256x256xf32>
    %dot_general3A_41 = arith.constant dense<0.000000e+00> : vector<1000x256xf32>
    %dot_general3A_42 = tpu.matmul %get3A_1, %get3A_40, %dot_general3A_41 {dimension_numbers = #tpu.dot_dimension_numbers<[1], [0], [0], [1], [0, 0, 1, 1], [], []>, transpose_lhs_hint = false} : vector<1000x256xf32>, vector<256x256xf32>, vector<1000x256xf32> -> vector<1000x256xf32>
    %get3A_43 = arith.constant 0 : index
    %get3A_44 = arith.constant 0 : index
    %get3A_45 = vector.load %arg11[%get3A_43, %get3A_44] : memref<1x256xf32, #tpu.memory_space<vmem>>, vector<1x256xf32>
    %add3A_46 = vector.broadcast %get3A_45 : vector<1x256xf32> to vector<1000x256xf32>
    %add3A_47 = arith.addf %dot_general3A_42, %add3A_46 : vector<1000x256xf32>
    %max3A_48 = arith.constant 0.000000e+00 : f32
    %max3A_49 = vector.broadcast %max3A_48 : f32 to vector<1000x256xf32>
    %max3A_50 = arith.maximumf %add3A_47, %max3A_49 : vector<1000x256xf32>
    %add3A_51 = arith.addf %add3A_27, %add3A_37 : vector<1000x256xf32>
    %max3A_52 = arith.constant 0.000000e+00 : f32
    %max3A_53 = vector.broadcast %max3A_52 : f32 to vector<1000x256xf32>
    %max3A_54 = arith.maximumf %add3A_51, %max3A_53 : vector<1000x256xf32>
    %sub3A = arith.subf %add3A_27, %add3A_37 : vector<1000x256xf32>
    %max3A_55 = arith.constant 0.000000e+00 : f32
    %max3A_56 = vector.broadcast %max3A_55 : f32 to vector<1000x256xf32>
    %max3A_57 = arith.maximumf %sub3A, %max3A_56 : vector<1000x256xf32>
    %get3A_58 = arith.constant 0 : index
    %get3A_59 = arith.constant 0 : index
    %get3A_60 = vector.load %arg12[%get3A_58, %get3A_59] : memref<1x256xf32, #tpu.memory_space<vmem>>, vector<1x256xf32>
    %get3A_61 = arith.constant 0 : index
    %get3A_62 = arith.constant 0 : index
    %get3A_63 = vector.load %arg13[%get3A_61, %get3A_62] : memref<1x1xf32, #tpu.memory_space<vmem>>, vector<1x1xf32>
    %mul3A_64 = arith.mulf %max3A_54, %max3A_54 : vector<1000x256xf32>
    %reduce_sum3A = arith.constant dense<0.000000e+00> : vector<1000xf32>
    %reduce_sum3A_65 = vector.multi_reduction <add>, %mul3A_64, %reduce_sum3A [1] : vector<1000x256xf32> to vector<1000xf32>
    %broadcast_in_dim3A = vector.shape_cast %reduce_sum3A_65 : vector<1000xf32> to vector<1000x1xf32>
    %sqrt3A = math.sqrt %broadcast_in_dim3A : vector<1000x1xf32>
    %add3A_66 = arith.constant 1.000000e-16 : f32
    %add3A_67 = vector.broadcast %add3A_66 : f32 to vector<1000x1xf32>
    %add3A_68 = arith.addf %sqrt3A, %add3A_67 : vector<1000x1xf32>
    %mul3A_69 = vector.broadcast %get3A_60 : vector<1x256xf32> to vector<1000x256xf32>
    %mul3A_70 = arith.mulf %max3A_54, %mul3A_69 : vector<1000x256xf32>
    %reduce_sum3A_71 = arith.constant dense<0.000000e+00> : vector<1000xf32>
    %reduce_sum3A_72 = vector.multi_reduction <add>, %mul3A_70, %reduce_sum3A_71 [1] : vector<1000x256xf32> to vector<1000xf32>
    %broadcast_in_dim3A_73 = vector.shape_cast %reduce_sum3A_72 : vector<1000xf32> to vector<1000x1xf32>
    %div3A_74 = arith.divf %broadcast_in_dim3A_73, %add3A_68 : vector<1000x1xf32>
    %add3A_75 = vector.broadcast %get3A_63 : vector<1x1xf32> to vector<1000x1xf32>
    %add3A_76 = arith.addf %div3A_74, %add3A_75 : vector<1000x1xf32>
    %gt3A = arith.constant 0.000000e+00 : f32
    %gt3A_77 = vector.broadcast %gt3A : f32 to vector<1000x1xf32>
    %gt3A_78 = arith.cmpf ogt, %add3A_76, %gt3A_77 : vector<1000x1xf32>
    %min3A = arith.constant 0.000000e+00 : f32
    %min3A_79 = vector.broadcast %min3A : f32 to vector<1000x1xf32>
    %min3A_80 = arith.minimumf %add3A_76, %min3A_79 : vector<1000x1xf32>
    %exp3A = math.exp %min3A_80 : vector<1000x1xf32>
    %sub3A_81 = arith.constant 1.000000e+00 : f32
    %sub3A_82 = vector.broadcast %sub3A_81 : f32 to vector<1000x1xf32>
    %sub3A_83 = arith.subf %exp3A, %sub3A_82 : vector<1000x1xf32>
    %mul3A_84 = arith.constant 5.000000e+00 : f32
    %mul3A_85 = vector.broadcast %mul3A_84 : f32 to vector<1000x1xf32>
    %mul3A_86 = arith.mulf %mul3A_85, %sub3A_83 : vector<1000x1xf32>
    %select_n3A = arith.select %gt3A_78, %add3A_76, %mul3A_86 : vector<1000x1xi1>, vector<1000x1xf32>
    %neg3A = arith.constant 0.000000e+00 : f32
    %neg3A_87 = vector.broadcast %neg3A : f32 to vector<1000x1xf32>
    %neg3A_88 = arith.subf %neg3A_87, %select_n3A : vector<1000x1xf32>
    %exp3A_89 = math.exp %neg3A_88 : vector<1000x1xf32>
    %add3A_90 = arith.constant 1.000000e+00 : f32
    %add3A_91 = vector.broadcast %add3A_90 : f32 to vector<1000x1xf32>
    %add3A_92 = arith.addf %add3A_91, %exp3A_89 : vector<1000x1xf32>
    %div3A_93 = arith.constant 1.000000e+00 : f32
    %div3A_94 = vector.broadcast %div3A_93 : f32 to vector<1000x1xf32>
    %div3A_95 = arith.divf %div3A_94, %add3A_92 : vector<1000x1xf32>
    %get3A_96 = arith.constant 0 : index
    %get3A_97 = arith.constant 0 : index
    %get3A_98 = vector.load %arg14[%get3A_96, %get3A_97] : memref<1x256xf32, #tpu.memory_space<vmem>>, vector<1x256xf32>
    %get3A_99 = arith.constant 0 : index
    %get3A_100 = arith.constant 0 : index
    %get3A_101 = vector.load %arg15[%get3A_99, %get3A_100] : memref<1x1xf32, #tpu.memory_space<vmem>>, vector<1x1xf32>
    %mul3A_102 = arith.mulf %max3A_57, %max3A_57 : vector<1000x256xf32>
    %reduce_sum3A_103 = arith.constant dense<0.000000e+00> : vector<1000xf32>
    %reduce_sum3A_104 = vector.multi_reduction <add>, %mul3A_102, %reduce_sum3A_103 [1] : vector<1000x256xf32> to vector<1000xf32>
    %broadcast_in_dim3A_105 = vector.shape_cast %reduce_sum3A_104 : vector<1000xf32> to vector<1000x1xf32>
    %sqrt3A_106 = math.sqrt %broadcast_in_dim3A_105 : vector<1000x1xf32>
    %add3A_107 = arith.constant 1.000000e-16 : f32
    %add3A_108 = vector.broadcast %add3A_107 : f32 to vector<1000x1xf32>
    %add3A_109 = arith.addf %sqrt3A_106, %add3A_108 : vector<1000x1xf32>
    %mul3A_110 = vector.broadcast %get3A_98 : vector<1x256xf32> to vector<1000x256xf32>
    %mul3A_111 = arith.mulf %max3A_57, %mul3A_110 : vector<1000x256xf32>
    %reduce_sum3A_112 = arith.constant dense<0.000000e+00> : vector<1000xf32>
    %reduce_sum3A_113 = vector.multi_reduction <add>, %mul3A_111, %reduce_sum3A_112 [1] : vector<1000x256xf32> to vector<1000xf32>
    %broadcast_in_dim3A_114 = vector.shape_cast %reduce_sum3A_113 : vector<1000xf32> to vector<1000x1xf32>
    %div3A_115 = arith.divf %broadcast_in_dim3A_114, %add3A_109 : vector<1000x1xf32>
    %add3A_116 = vector.broadcast %get3A_101 : vector<1x1xf32> to vector<1000x1xf32>
    %add3A_117 = arith.addf %div3A_115, %add3A_116 : vector<1000x1xf32>
    %gt3A_118 = arith.constant 0.000000e+00 : f32
    %gt3A_119 = vector.broadcast %gt3A_118 : f32 to vector<1000x1xf32>
    %gt3A_120 = arith.cmpf ogt, %add3A_117, %gt3A_119 : vector<1000x1xf32>
    %min3A_121 = arith.constant 0.000000e+00 : f32
    %min3A_122 = vector.broadcast %min3A_121 : f32 to vector<1000x1xf32>
    %min3A_123 = arith.minimumf %add3A_117, %min3A_122 : vector<1000x1xf32>
    %exp3A_124 = math.exp %min3A_123 : vector<1000x1xf32>
    %sub3A_125 = arith.constant 1.000000e+00 : f32
    %sub3A_126 = vector.broadcast %sub3A_125 : f32 to vector<1000x1xf32>
    %sub3A_127 = arith.subf %exp3A_124, %sub3A_126 : vector<1000x1xf32>
    %mul3A_128 = arith.constant 5.000000e+00 : f32
    %mul3A_129 = vector.broadcast %mul3A_128 : f32 to vector<1000x1xf32>
    %mul3A_130 = arith.mulf %mul3A_129, %sub3A_127 : vector<1000x1xf32>
    %select_n3A_131 = arith.select %gt3A_120, %add3A_117, %mul3A_130 : vector<1000x1xi1>, vector<1000x1xf32>
    %neg3A_132 = arith.constant 0.000000e+00 : f32
    %neg3A_133 = vector.broadcast %neg3A_132 : f32 to vector<1000x1xf32>
    %neg3A_134 = arith.subf %neg3A_133, %select_n3A_131 : vector<1000x1xf32>
    %exp3A_135 = math.exp %neg3A_134 : vector<1000x1xf32>
    %add3A_136 = arith.constant 1.000000e+00 : f32
    %add3A_137 = vector.broadcast %add3A_136 : f32 to vector<1000x1xf32>
    %add3A_138 = arith.addf %add3A_137, %exp3A_135 : vector<1000x1xf32>
    %div3A_139 = arith.constant 1.000000e+00 : f32
    %div3A_140 = vector.broadcast %div3A_139 : f32 to vector<1000x1xf32>
    %div3A_141 = arith.divf %div3A_140, %add3A_138 : vector<1000x1xf32>
    %get3A_142 = arith.constant 0 : index
    %get3A_143 = arith.constant 0 : index
    %get3A_144 = vector.load %arg16[%get3A_142, %get3A_143] : memref<1x256xf32, #tpu.memory_space<vmem>>, vector<1x256xf32>
    %get3A_145 = arith.constant 0 : index
    %get3A_146 = arith.constant 0 : index
    %get3A_147 = vector.load %arg17[%get3A_145, %get3A_146] : memref<1x1xf32, #tpu.memory_space<vmem>>, vector<1x1xf32>
    %mul3A_148 = arith.mulf %max3A_50, %max3A_50 : vector<1000x256xf32>
    %reduce_sum3A_149 = arith.constant dense<0.000000e+00> : vector<1000xf32>
    %reduce_sum3A_150 = vector.multi_reduction <add>, %mul3A_148, %reduce_sum3A_149 [1] : vector<1000x256xf32> to vector<1000xf32>
    %broadcast_in_dim3A_151 = vector.shape_cast %reduce_sum3A_150 : vector<1000xf32> to vector<1000x1xf32>
    %sqrt3A_152 = math.sqrt %broadcast_in_dim3A_151 : vector<1000x1xf32>
    %add3A_153 = arith.constant 1.000000e-16 : f32
    %add3A_154 = vector.broadcast %add3A_153 : f32 to vector<1000x1xf32>
    %add3A_155 = arith.addf %sqrt3A_152, %add3A_154 : vector<1000x1xf32>
    %mul3A_156 = vector.broadcast %get3A_144 : vector<1x256xf32> to vector<1000x256xf32>
    %mul3A_157 = arith.mulf %max3A_50, %mul3A_156 : vector<1000x256xf32>
    %reduce_sum3A_158 = arith.constant dense<0.000000e+00> : vector<1000xf32>
    %reduce_sum3A_159 = vector.multi_reduction <add>, %mul3A_157, %reduce_sum3A_158 [1] : vector<1000x256xf32> to vector<1000xf32>
    %broadcast_in_dim3A_160 = vector.shape_cast %reduce_sum3A_159 : vector<1000xf32> to vector<1000x1xf32>
    %div3A_161 = arith.divf %broadcast_in_dim3A_160, %add3A_155 : vector<1000x1xf32>
    %add3A_162 = vector.broadcast %get3A_147 : vector<1x1xf32> to vector<1000x1xf32>
    %add3A_163 = arith.addf %div3A_161, %add3A_162 : vector<1000x1xf32>
    %gt3A_164 = arith.constant 0.000000e+00 : f32
    %gt3A_165 = vector.broadcast %gt3A_164 : f32 to vector<1000x1xf32>
    %gt3A_166 = arith.cmpf ogt, %add3A_163, %gt3A_165 : vector<1000x1xf32>
    %min3A_167 = arith.constant 0.000000e+00 : f32
    %min3A_168 = vector.broadcast %min3A_167 : f32 to vector<1000x1xf32>
    %min3A_169 = arith.minimumf %add3A_163, %min3A_168 : vector<1000x1xf32>
    %exp3A_170 = math.exp %min3A_169 : vector<1000x1xf32>
    %sub3A_171 = arith.constant 1.000000e+00 : f32
    %sub3A_172 = vector.broadcast %sub3A_171 : f32 to vector<1000x1xf32>
    %sub3A_173 = arith.subf %exp3A_170, %sub3A_172 : vector<1000x1xf32>
    %mul3A_174 = arith.constant 5.000000e+00 : f32
    %mul3A_175 = vector.broadcast %mul3A_174 : f32 to vector<1000x1xf32>
    %mul3A_176 = arith.mulf %mul3A_175, %sub3A_173 : vector<1000x1xf32>
    %select_n3A_177 = arith.select %gt3A_166, %add3A_163, %mul3A_176 : vector<1000x1xi1>, vector<1000x1xf32>
    %neg3A_178 = arith.constant 0.000000e+00 : f32
    %neg3A_179 = vector.broadcast %neg3A_178 : f32 to vector<1000x1xf32>
    %neg3A_180 = arith.subf %neg3A_179, %select_n3A_177 : vector<1000x1xf32>
    %exp3A_181 = math.exp %neg3A_180 : vector<1000x1xf32>
    %add3A_182 = arith.constant 1.000000e+00 : f32
    %add3A_183 = vector.broadcast %add3A_182 : f32 to vector<1000x1xf32>
    %add3A_184 = arith.addf %add3A_183, %exp3A_181 : vector<1000x1xf32>
    %div3A_185 = arith.constant 1.000000e+00 : f32
    %div3A_186 = vector.broadcast %div3A_185 : f32 to vector<1000x1xf32>
    %div3A_187 = arith.divf %div3A_186, %add3A_184 : vector<1000x1xf32>
    %mul3A_188 = vector.broadcast %div3A_95 : vector<1000x1xf32> to vector<1000x256xf32>
    %mul3A_189 = arith.mulf %mul3A_188, %max3A_54 : vector<1000x256xf32>
    %mul3A_190 = vector.broadcast %div3A_141 : vector<1000x1xf32> to vector<1000x256xf32>
    %mul3A_191 = arith.mulf %mul3A_190, %max3A_57 : vector<1000x256xf32>
    %add3A_192 = arith.addf %mul3A_189, %mul3A_191 : vector<1000x256xf32>
    %mul3A_193 = vector.broadcast %div3A_187 : vector<1000x1xf32> to vector<1000x256xf32>
    %mul3A_194 = arith.mulf %mul3A_193, %max3A_50 : vector<1000x256xf32>
    %add3A_195 = arith.addf %add3A_192, %mul3A_194 : vector<1000x256xf32>
    %mul3A_196 = arith.constant 3.000000e+00 : f32
    %mul3A_197 = vector.broadcast %mul3A_196 : f32 to vector<1000x256xf32>
    %mul3A_198 = arith.mulf %mul3A_197, %add3A_195 : vector<1000x256xf32>
    %swap3A = arith.constant 0 : index
    %swap3A_199 = arith.constant 0 : index
    %swap3A_200 = vector.load %arg18[%swap3A, %swap3A_199] : memref<1000x256xf32, #tpu.memory_space<vmem>>, vector<1000x256xf32>
    tpu.vector_store %arg18[%swap3A, %swap3A_199], %mul3A_198 {strides = array<i32>} : memref<1000x256xf32, #tpu.memory_space<vmem>>, vector<1000x256xf32>,
    return
  }
  func.func @transform_0(%arg0: i32) -> (i32, i32) {
    %c0_i32 = arith.constant 0 : i32
    %c0_i32_0 = arith.constant 0 : i32
    return %arg0, %c0_i32 : i32, i32
  }
  func.func @transform_1(%arg0: i32) -> (i32, i32) {
    %c0_i32 = arith.constant 0 : i32
    %c0_i32_0 = arith.constant 0 : i32
    return %arg0, %c0_i32 : i32, i32
  }
  func.func @transform_2(%arg0: i32) -> (i32, i32) {
    %c0_i32 = arith.constant 0 : i32
    %c0_i32_0 = arith.constant 0 : i32
    return %arg0, %c0_i32 : i32, i32
  }
  func.func @transform_3(%arg0: i32) -> (i32, i32) {
    %c0_i32 = arith.constant 0 : i32
    %c0_i32_0 = arith.constant 0 : i32
    return %arg0, %c0_i32 : i32, i32
  }
  func.func @transform_4(%arg0: i32) -> (i32, i32) {
    %c0_i32 = arith.constant 0 : i32
    %c0_i32_0 = arith.constant 0 : i32
    return %arg0, %c0_i32 : i32, i32
  }
  func.func @transform_5(%arg0: i32) -> (i32, i32) {
    %c0_i32 = arith.constant 0 : i32
    %c0_i32_0 = arith.constant 0 : i32
    %c0_i32_1 = arith.constant 0 : i32
    return %c0_i32, %c0_i32_0 : i32, i32
  }
  func.func @transform_6(%arg0: i32) -> (i32, i32) {
    %c0_i32 = arith.constant 0 : i32
    %c0_i32_0 = arith.constant 0 : i32
    %c0_i32_1 = arith.constant 0 : i32
    return %c0_i32, %c0_i32_0 : i32, i32
  }
  func.func @transform_7(%arg0: i32) -> (i32, i32) {
    %c0_i32 = arith.constant 0 : i32
    %c0_i32_0 = arith.constant 0 : i32
    %c0_i32_1 = arith.constant 0 : i32
    return %c0_i32, %c0_i32_0 : i32, i32
  }
  func.func @transform_8(%arg0: i32) -> (i32, i32) {
    %c0_i32 = arith.constant 0 : i32
    %c0_i32_0 = arith.constant 0 : i32
    %c0_i32_1 = arith.constant 0 : i32
    return %c0_i32, %c0_i32_0 : i32, i32
  }
  func.func @transform_9(%arg0: i32) -> (i32, i32) {
    %c0_i32 = arith.constant 0 : i32
    %c0_i32_0 = arith.constant 0 : i32
    %c0_i32_1 = arith.constant 0 : i32
    return %c0_i32, %c0_i32_0 : i32, i32
  }
  func.func @transform_10(%arg0: i32) -> (i32, i32) {
    %c0_i32 = arith.constant 0 : i32
    %c0_i32_0 = arith.constant 0 : i32
    %c0_i32_1 = arith.constant 0 : i32
    return %c0_i32, %c0_i32_0 : i32, i32
  }
  func.func @transform_11(%arg0: i32) -> (i32, i32) {
    %c0_i32 = arith.constant 0 : i32
    %c0_i32_0 = arith.constant 0 : i32
    %c0_i32_1 = arith.constant 0 : i32
    return %c0_i32, %c0_i32_0 : i32, i32
  }
  func.func @transform_12(%arg0: i32) -> (i32, i32) {
    %c0_i32 = arith.constant 0 : i32
    %c0_i32_0 = arith.constant 0 : i32
    %c0_i32_1 = arith.constant 0 : i32
    return %c0_i32, %c0_i32_0 : i32, i32
  }
  func.func @transform_13(%arg0: i32) -> (i32, i32) {
    %c0_i32 = arith.constant 0 : i32
    %c0_i32_0 = arith.constant 0 : i32
    %c0_i32_1 = arith.constant 0 : i32
    return %c0_i32, %c0_i32_0 : i32, i32
  }
  func.func @transform_14(%arg0: i32) -> (i32, i32) {
    %c0_i32 = arith.constant 0 : i32
    %c0_i32_0 = arith.constant 0 : i32
    %c0_i32_1 = arith.constant 0 : i32
    return %c0_i32, %c0_i32_0 : i32, i32
  }
  func.func @transform_15(%arg0: i32) -> (i32, i32) {
    %c0_i32 = arith.constant 0 : i32
    %c0_i32_0 = arith.constant 0 : i32
    %c0_i32_1 = arith.constant 0 : i32
    return %c0_i32, %c0_i32_0 : i32, i32
  }
  func.func @transform_16(%arg0: i32) -> (i32, i32) {
    %c0_i32 = arith.constant 0 : i32
    %c0_i32_0 = arith.constant 0 : i32
    %c0_i32_1 = arith.constant 0 : i32
    return %c0_i32, %c0_i32_0 : i32, i32
  }
  func.func @transform_17(%arg0: i32) -> (i32, i32) {
    %c0_i32 = arith.constant 0 : i32
    %c0_i32_0 = arith.constant 0 : i32
    return %arg0, %c0_i32 : i32, i32
  }
}

</mosaic_0001>

<sc_bundles>
// kernel: kernel.5.cloned.1.call-start
scs
__scs_entry_jumppad:
0x0: {  	(pc) =	sbr.rel $0x88, $3  }
0x1: {  	(tag) =	ssettag $0x0;
	lr =	simm.s32 $0x1  }
0x2: {  	[smem:$0x3F93] =	sst lr;
	_ =	strace $0xD0000000  }
0x3: {  	_ = 	snop  }
0x4: {  	_ = 	snop  }
0x5: {  	_ = 	snop  }
0x6: {  	_ = 	snop  }
0x7: {  	_ = 	snop  }
__scs_overlays_trampoline_lowered:
0x8: {  	[smem:$0x3FA2] =	sst s0  }
0x9: {  	[smem:$0x3FA3] =	sst s1  }
0xa: {  	[smem:$0x3FA4] =	sst s2  }
0xb: {  	[smem:$0x3FA5] =	sst s3  }
0xc: {  	[smem:$0x3FA6] =	sst s4  }
0xd: {  	[smem:$0x3FA7] =	sst s5  }
0xe: {  	[smem:$0x3FA8] =	sst s6  }
0xf: {  	[smem:$0x3FA9] =	sst s7  }
0x10: {  	[smem:$0x3FAA] =	sst s8  }
0x11: {  	[smem:$0x3FAB] =	sst s9;
	s0 =	simm.s32 @!p0 $0x0  }
0x12: {  	s1 =	sld [smem:$0x3F91];
	s0 =	simm.s32 @p0 $0x1  }
0x13: {  	[smem:$0x3FAC] =	sst s0;
	s0 =	simm.s32 @!p1 $0x0  }
0x14: {  	s2 =	sld [smem:$0x3F90];
	s0 =	simm.s32 @p1 $0x1  }
0x15: {  	[smem:$0x3FAD] =	sst s0;
	s0 =	simm.s32 @!p2 $0x0  }
0x16: {  	s3 =	sld [smem:$0x3FDB];
	s0 =	simm.s32 @p2 $0x1  }
0x17: {  	s4 =	simm.s32 $0x1BF5;
	[smem:$0x3FAF] =	sst s0  }
0x18: {  	s0 =	sld [smem:$0x3F92];
	_ =	swait.ge [sflag:s4], $0x0  }
0x19: {  	s7 =	sld [smem:$0x3F93]  }
0x1a: {  	s8 =	sadd.s32 $0xFFFFE003, lr  }
0x1b: {  	s9 =	sadd.s32 $0xFFFFFEF7, lr;
	s5 =	simm.s32 $0xFFFFFFFF;
	p2 =	slt.u32 s8, $0xFFFFF086  }
0x1c: {  	p1 =	slt.u32 s9, $0xF7A;
	s5 =	simm.s32 @!p2 $0x0  }
0x1d: {  	s5 =	simm.s32 @p1 $0x1;
	p0 =	seq.s32 s7, s2  }
0x1e: {  	s7 =	smul.u32 @!p0 $0xF7A, s2;
	p2 =	seq.s32 @!p0 s5, $0x0  }
0x1f: {  	s9 =	smul.u32 $0xF7A, s1;
	s8 =	simm.s32 @!p0 $0x1BF5;
	p2 =	por !p2, p0  }
0x20: {  	[sflag:s8] =	ssyncset.s32 @!p0 $0xFFFFF086;
	s6 =	sadd.s32 @!p0 s3, s7;
	s7 =	simm.s32 @!p0 $0x108  }
0x21: {  	s3 =	sadd.s32 s3, s9;
	s6 =	sadd.s32 @!p0 $0x88, s6;
	s7 =	simm.s32 @p2 $0x1082  }
0x22: {  	[simem:s7], [sflag:s8] =	dma.local @!p0 [hbm:s6], $0xF7A  }
0x23: {  	s9 =	sor.u32 $0xD0000000, s2;
	s6 =	simm.s32 $0x108;
	_ =	swait.ge @!p0 [sflag:s8], $0x0  }
0x24: {  	s3 =	sadd.s32 $0x88, s3;
	s6 =	simm.s32 @!p1 $0x1082;
	[sflag:s4] =	ssyncset.s32 $0xFFFFF086  }
0x25: {  	[simem:s6], [sflag:s4] =	dma.local [hbm:s3], $0xF7A  }
0x26: {  	[smem:$0x3F93] =	sst s1;
	(tag) =	ssettag s2;
	_ =	strace s9  }
0x27: {  	s1 =	sld [smem:$0x3FA3]  }
0x28: {  	s2 =	sld [smem:$0x3FA4]  }
0x29: {  	s4 =	sld [smem:$0x3FA6]  }
0x2a: {  	p0 =	seq.s32 s5, $0x0;
	s5 =	sld [smem:$0x3FA7]  }
0x2b: {  	s6 =	sld [smem:$0x3FA8]  }
0x2c: {  	s7 =	sld [smem:$0x3FA9]  }
0x2d: {  	s3 =	simm.s32 $0x108;
	s8 =	sld [smem:$0x3FAA]  }
0x2e: {  	s3 =	simm.s32 @!p0 $0x1082;
	s9 =	sld [smem:$0x3FAB]  }
0x2f: {  	lr =	sadd.s32 s0, s3;
	s0 =	sld [smem:$0x3FA2]  }
0x30: {  	s3 =	sld [smem:$0x3FA5]  }
0x31: {  	[smem:$0x3FAE] =	sst s10  }
0x32: {  	s10 =	sld [smem:$0x3FAC];
	_ =	sdelay $0x3  }
0x33: {  	p0 =	seq.s32 s10, $0x1;
	s10 =	sld [smem:$0x3FAE];
	_ =	sdelay $0x3  }
0x34: {  	[smem:$0x3FAE] =	sst s10  }
0x35: {  	s10 =	sld [smem:$0x3FAD];
	_ =	sdelay $0x3  }
0x36: {  	p1 =	seq.s32 s10, $0x1;
	s10 =	sld [smem:$0x3FAE];
	_ =	sdelay $0x3  }
0x37: {  	[smem:$0x3FAE] =	sst s10  }
0x38: {  	s10 =	sld [smem:$0x3FAF]  }
0x39: {  	_ = 	snop;
	(pc) =	sbr.ind lr, $3  }
0x3a: {  	_ = 	snop  }
0x3b: {  	_ = 	snop  }
0x3c: {  	p2 =	seq.s32 s10, $0x1;
	s10 =	sld [smem:$0x3FAE]  }
0x3d: {  	_ =	shalt  }
0x3e: {  	_ =	shalt  }
0x3f: {  	_ =	shalt  }
0x40: {  	_ =	shalt  }
0x41: {  	_ =	shalt  }
0x42: {  	_ =	shalt  }
0x43: {  	_ =	shalt  }
0x44: {  	_ =	shalt  }
0x45: {  	_ =	shalt  }
0x46: {  	_ =	shalt  }
0x47: {  	_ =	shalt  }
0x48: {  	_ =	shalt  }
0x49: {  	_ =	shalt  }
0x4a: {  	_ =	shalt  }
0x4b: {  	_ =	shalt  }
0x4c: {  	_ =	shalt  }
0x4d: {  	_ =	shalt  }
0x4e: {  	_ =	shalt  }
0x4f: {  	_ =	shalt  }
0x50: {  	_ =	shalt  }
0x51: {  	_ =	shalt  }
0x52: {  	_ =	shalt  }
0x53: {  	_ =	shalt  }
0x54: {  	_ =	shalt  }
0x55: {  	_ =	shalt  }
0x56: {  	_ =	shalt  }
0x57: {  	_ =	shalt  }
0x58: {  	_ =	shalt  }
0x59: {  	_ =	shalt  }
0x5a: {  	_ =	shalt  }
0x5b: {  	_ =	shalt  }
0x5c: {  	_ =	shalt  }
0x5d: {  	_ =	shalt  }
0x5e: {  	_ =	shalt  }
0x5f: {  	_ =	shalt  }
0x60: {  	_ =	shalt  }
0x61: {  	_ =	shalt  }
0x62: {  	_ =	shalt  }
0x63: {  	_ =	shalt  }
0x64: {  	_ =	shalt  }
0x65: {  	_ =	shalt  }
0x66: {  	_ =	shalt  }
0x67: {  	_ =	shalt  }
0x68: {  	_ =	shalt  }
0x69: {  	_ =	shalt  }
0x6a: {  	_ =	shalt  }
0x6b: {  	_ =	shalt  }
0x6c: {  	_ =	shalt  }
0x6d: {  	_ =	shalt  }
0x6e: {  	_ =	shalt  }
0x6f: {  	_ =	shalt  }
0x70: {  	_ =	shalt  }
0x71: {  	_ =	shalt  }
0x72: {  	_ =	shalt  }
0x73: {  	_ =	shalt  }
0x74: {  	_ =	shalt  }
0x75: {  	_ =	shalt  }
0x76: {  	_ =	shalt  }
0x77: {  	_ =	shalt  }
0x78: {  	_ =	shalt  }
0x79: {  	_ =	shalt  }
0x7a: {  	_ =	shalt  }
0x7b: {  	_ =	shalt  }
0x7c: {  	_ =	shalt  }
0x7d: {  	_ =	shalt  }
0x7e: {  	_ =	shalt  }
0x7f: {  	_ =	shalt  }
0x80: {  	_ =	shalt  }
0x81: {  	_ =	shalt  }
0x82: {  	_ =	shalt  }
0x83: {  	_ =	shalt  }
0x84: {  	_ =	shalt  }
0x85: {  	_ =	shalt  }
0x86: {  	_ =	shalt  }
0x87: {  	_ =	shalt  }
.Lfunc_end0:
.L_simem_size_0:
called_computation_lowered:
.L_overlay_start_0:
0x88: {  	s2 =	sld [smem:$0x3FD9]  }
0x89: {  	s3 =	sld [smem:$0x3FFE];
	_ =	sdelay $0x1  }
0x8a: {  	s1 =	srdreg.scid  }
0x8b: {  	s0 =	sand.u32 $0x1, s1  }
0x8c: {  	s17 =	sshll.u32 s0, $0xA;
	s2 =	sadd.s32 s3, s2  }
0x8d: {  	s2 =	sadd.s32 s2, s17  }
0x8e: {  	[smem:$0x3FBA] =	sst s2  }
0x8f: {  	_ = 	snop  }
0x90: {  	s2 =	sld [smem:$0x3FD0];
	(tm) =	ssettm $0x1  }
0x91: {  	s18 =	sld [smem:$0x3FFB];
	_ =	sdelay $0x3  }
0x92: {  	_ =	strace s18  }
0x93: {  	s3 =	sld [smem:$0x3FFC];
	_ =	sdelay $0x3  }
0x94: {  	_ =	strace s3  }
0x95: {  	s3 =	sld [smem:$0x3FFD];
	_ =	sdelay $0x3  }
0x96: {  	_ =	strace s3  }
0x97: {  	_ =	strace $0x8FFFFFFF  }
0x98: {  	s19 =	sld [smem:$0x3FDB];
	_ =	sdelay $0x1  }
0x99: {  	s4 =	simm.s32 $_scs_section_size  }
0x9a: {  	s5 =	simm.s32 $_size__tile_overlayer_lowered;
	s6 =	simm.s32 $_tile_overlayer_lowered  }
0x9b: {  	s22 =	simm.s32 $0x1BFF;
	s21 =	sshll.u32 s6, $0x1;
	s3 =	sadd.s32 s4, s19  }
0x9c: {  	s7 =	simm.s32 $0x0;
	s20 =	sshll.u32 s5, $0x1;
	s5 =	sadd.s32 s21, s3  }
0x9d: {  	[timem:s7], [sflag:s22] =	dma.local [hbm:s5], s20  }
0x9e: {  	_ =	swait.ge [sflag:s22], s20  }
0x9f: {  	s4 =	ssub.s32 $0x0, s20;
	[sflag:s22] =	ssyncset.done $0x0  }
0xa0: {  	[sflag:s22] =	ssyncadd.s32 s4;
	_ =	sdelay $0x1  }
0xa1: {  	s23 =	simm.s32 $0x1B8B  }
0xa2: {  	_ =	swait.ge [sflag:s23], $0x1  }
0xa3: {  	[sflag:s23] =	ssyncset.done $0x0  }
0xa4: {  	s25 =	simm.s32 $0x1B8E;
	s24 =	sld [smem:$0x3FFE];
	[sflag:s23] =	ssyncadd.s32 $0xFFFFFFFF  }
0xa5: {  	s26 =	simm.s32 $execute0_lowered;
	[smem:$0x3FD2] =	sst s25  }
0xa6: {  	s5 =	sshll.u32 s26, $0x1;
	_ =	strace $0x80000046;
	[dreg:$0x1] =	wrdreg $0xFFFFFFFF  }
0xa7: {  	s28 =	simm.s32 $_size_execute0_lowered;
	s3 =	sadd.s32 s3, s5;
	[dreg:$0x0] =	wrdreg $0x0  }
0xa8: {  	s5 =	sshll.u32 s28, $0x1;
	[dreg:$0x2] =	wrdreg s3  }
0xa9: {  	[dreg:$0x3] =	wrdreg s5  }
0xaa: {  	[dreg:$0x4] =	wrdreg $0xC0  }
0xab: {  	_ =	task [dreg:s7], $0x5FFFF  }
0xac: {  	[dreg:$0x1] =	wrdreg $0xFFFFFFFF  }
0xad: {  	[dreg:$0x0] =	wrdreg $0x60  }
0xae: {  	[dreg:$0x2] =	wrdreg s2  }
0xaf: {  	[dreg:$0x3] =	wrdreg s24  }
0xb0: {  	[dreg:$0x4] =	wrdreg $0x0  }
0xb1: {  	[dreg:$0x5] =	wrdreg $0x9  }
0xb2: {  	_ =	task.clear_ibuf [dreg:s7], $0x6FFFF;
	_ =	strace $0x90000046  }
0xb3: {  	s29 =	simm.s32 $0x9;
	_ =	strace $0x80000048  }
0xb4: {  	_ =	swait.ge [sflag:s29], $0x1  }
0xb5: {  	[sflag:s29] =	ssyncadd.s32 $0xFFFFFFFF  }
0xb6: {  	_ =	strace $0x90000048  }
0xb7: {  	_ =	sfence  }
0xb8: {  	s30 =	sld [smem:$0x0];
	_ =	sdelay $0x2  }
0xb9: {  	s31 =	sshll.u32 s1, $0xD;
	s1 =	sshrl.u32 s1, $0x2  }
0xba: {  	s3 =	sand.u32 $0x4000, s31;
	s1 =	sadd.s32 s1, s30  }
0xbb: {  	s0 =	sor.u32 s3, s0;
	s1 =	sshll.u32 s1, $0x11  }
0xbc: {  	s0 =	sor.u32 s1, s0  }
0xbd: {  	s0 =	sadd.s32 $0x8F2B, s0  }
0xbe: {  	[sflag:s0] =	ssyncadd.remote.s32 $0x1  }
0xbf: {  	_ =	sfence.sel $0xFFFF  }
0xc0: {  	[dreg:$0x0] =	wrdreg $0xFFFFFFFF;
	(pc) =	sbr.abs _section_cstart, $3  }
0xc1: {  	[dreg:$0x1] =	wrdreg $0xFFFFFFFF  }
0xc2: {  	_ =	task.clear_ibuf [dreg:s7], $0x2FFFF;
	_ =	strace $0x9FFFFFFF  }
0xc3: {  	(tm) =	ssettm $0x7FFFFFFF  }
tec
execute0_lowered:
.L_overlay_start_1:
0x0: {  	(tag) =	ssettag $0x1  }
0x1: {  	s1 =	rddreg [dreg:$0x0];
	s0 =	srdreg.scid  }
0x2: {  	s3 =	rddreg [dreg:$0x1];
	s16 =	stileid.u32;
	s2 =	simm.s32 $0x0  }
0x3: {  	s0 =	sand.u32 $0x1, s0;
	s6 =	smul.u32 $0x14000, s16;
	[smem:$0x7FF] =	sst s2  }
0x4: {  	s7 =	sadd.s32 $0x24A00, s3;
	s4 =	smul.u32 $0x140000, s0;
	s5 =	ssub.s32 $0x2, s0  }
0x5: {  	s8 =	sshrl.u32 s5, $0x1;
	s9 =	sor.u32 $0x2000, s6;
	s10 =	sadd.s32 $0x4000, s6  }
0x6: {  	s12 =	sadd.s32 $0x6000, s6;
	s15 =	sadd.s32 $0xA000, s6;
	s20 =	sadd.s32 $0xC000, s6  }
0x7: {  	s5 =	ssub.s32 s5, s8;
	s21 =	sadd.s32 s4, s6;
	s22 =	sadd.s32 s4, s9  }
0x8: {  	s11 =	sadd.s32 s4, s10;
	s24 =	sadd.s32 s4, s12;
	s13 =	sadd.s32 s4, s15  }
0x9: {  	s8 =	sshrl.u32 s21, $0x3;
	s11 =	sshrl.u32 s11, $0x3;
	s13 =	sshrl.u32 s13, $0x3  }
0xa: {  	s21 =	sadd.s32 $0xE000, s6;
	s8 =	sadd.s32 s7, s8;
	s23 =	sadd.s32 s7, s11  }
0xb: {  	s11 =	sadd.s32 $0x8000, s6;
	s26 =	sadd.s32 s7, s13;
	s13 =	sadd.s32 s4, s20  }
0xc: {  	s14 =	sadd.s32 s4, s21;
	[dreg:$0x4] =	wrdreg s8;
	s8 =	sshrl.u32 s22, $0x3  }
0xd: {  	[dreg:$0x6] =	wrdreg s23;
	s25 =	sadd.s32 s4, s11;
	s22 =	sadd.s32 $0x10000, s6  }
0xe: {  	s6 =	sadd.s32 $0x12000, s6;
	s8 =	sadd.s32 s7, s8;
	s17 =	sadd.s32 s4, s22  }
0xf: {  	s4 =	sadd.s32 s4, s6;
	[dreg:$0x5] =	wrdreg s8;
	s8 =	sshrl.u32 s24, $0x3  }
0x10: {  	[dreg:$0x9] =	wrdreg s26;
	s4 =	sshrl.u32 s4, $0x3;
	s8 =	sadd.s32 s7, s8  }
0x11: {  	s4 =	sadd.s32 s7, s4;
	[dreg:$0x7] =	wrdreg s8;
	s8 =	sshrl.u32 s25, $0x3  }
0x12: {  	[dreg:$0xd] =	wrdreg s4;
	s8 =	sadd.s32 s7, s8  }
0x13: {  	[dreg:$0x8] =	wrdreg s8;
	s8 =	sshrl.u32 s13, $0x3;
	s13 =	sshrl.u32 s17, $0x3  }
0x14: {  	s8 =	sadd.s32 s7, s8;
	s18 =	sadd.s32 s7, s13;
	s13 =	rddreg [dreg:$0x2]  }
0x15: {  	s28 =	simm.s32 $0x141C0;
	[dreg:$0xa] =	wrdreg s8;
	s8 =	sshrl.u32 s14, $0x3  }
0x16: {  	s29 =	simm.s32 $0x140C0;
	[dreg:$0xc] =	wrdreg s18;
	s8 =	sadd.s32 s7, s8  }
0x17: {  	s30 =	simm.s32 $0x16240;
	s26 =	smax.u32 s5, $0x1;
	[dreg:$0xb] =	wrdreg s8  }
0x18: {  	s5 =	sadd.s32 s9, s13;
	_ =	strace $0x80000047;
	[dreg:$0xf] =	wrdreg s26  }
0x19: {  	s31 =	simm.s32 $0x1;
	s7 =	sadd.s32 s10, s13;
	[dreg:$0x10] =	wrdreg s5  }
0x1a: {  	s19 =	smul.u32 $0x50000, s16;
	s8 =	sadd.s32 s12, s13;
	[dreg:$0x11] =	wrdreg s7  }
0x1b: {  	s0 =	smul.u32 $0x50000, s0;
	s9 =	sadd.s32 s11, s13;
	[dreg:$0x12] =	wrdreg s8  }
0x1c: {  	s23 =	sshrl.u32 s19, $0x2;
	s10 =	sadd.s32 s15, s13;
	[dreg:$0x13] =	wrdreg s9  }
0x1d: {  	s17 =	sadd.s32 $0x1A00, s3;
	s11 =	sadd.s32 s20, s13;
	[dreg:$0x14] =	wrdreg s10  }
0x1e: {  	s14 =	smul.u32 $0x5000, s16;
	s12 =	sadd.s32 s21, s13;
	[dreg:$0x15] =	wrdreg s11  }
0x1f: {  	s18 =	sadd.s32 $0x1AA00, s3;
	s15 =	sadd.s32 s22, s13;
	[dreg:$0x16] =	wrdreg s12  }
0x20: {  	s19 =	sadd.s32 s23, s13;
	s20 =	sadd.s32 s6, s13;
	[dreg:$0x17] =	wrdreg s15  }
0x21: {  	s22 =	sadd.s32 $0x4000, s19;
	s21 =	sadd.s32 $0x2000, s19;
	[dreg:$0x18] =	wrdreg s20  }
0x22: {  	s23 =	sadd.s32 $0x6000, s19;
	s16 =	sadd.s32 s14, s0;
	[dreg:$0x1a] =	wrdreg s21  }
0x23: {  	s25 =	sshrl.u32 s14, $0x3;
	s24 =	sshrl.u32 s16, $0x3;
	[dreg:$0x1b] =	wrdreg s22  }
0x24: {  	s0 =	sadd.s32 s18, s25;
	[dreg:$0x1c] =	wrdreg s23;
	s25 =	sadd.s32 $0xA000, s19  }
0x25: {  	s26 =	sadd.s32 $0xC000, s19;
	s9 =	sadd.s32 $0xE000, s19;
	s10 =	sadd.s32 $0x10000, s19  }
0x26: {  	s12 =	sadd.s32 $0x12000, s19;
	s22 =	simm.s32 $0x14240;
	s23 =	simm.s32 $0x3  }
0x27: {  	s11 =	simm.s32 $0x2;
	s3 =	sadd.s32 s17, s24;
	[dreg:$0x1e] =	wrdreg s25  }
0x28: {  	s24 =	sadd.s32 $0x8000, s19;
	[dreg:$0x1f] =	wrdreg s26;
	s8 =	smov.u32 s0  }
0x29: {  	s15 =	sadd.s32 $0x9F0, s0;
	s25 =	simm.s32 $0x14040;
	[dreg:$0xe] =	wrdreg s3  }
0x2a: {  	s26 =	simm.s32 $0x40;
	s3 =	sadd.s32 $0x9F0, s3;
	[dreg:$0x1d] =	wrdreg s24  }
0x2b: {  	v0 =	vimm.f32 $0.0e+00;
	s0 =	simm.s32 $0x0;
	s24 =	simm.s32 $0x14140;
	[dreg:$0x19] =	wrdreg s3  }
.LBB2_1:
0x2c: {  	s3 =	simm.s32 $0x0;
	s4 =	simm.s32 $0x200  }
.LBB2_2:
0x2d: {  	p0 =	sne.s32 s4, $0x7E00;
	[tilespmem:s3+$0x142B0] =	vst v0  }
0x2e: {  	[tilespmem:s3+$0x14240] =	vst v0  }
0x2f: {  	[tilespmem:s3+$0x14250] =	vst v0  }
.Ltmp0:
0x30: {  	[tilespmem:s3+$0x14260] =	vst v0;
	(pc) =	sbr.rel @p0 .LBB2_2-.Ltmp0, $4  }
0x31: {  	[tilespmem:s3+$0x14270] =	vst v0  }
0x32: {  	[tilespmem:s3+$0x14280] =	vst v0  }
0x33: {  	[tilespmem:s3+$0x14290] =	vst v0  }
0x34: {  	[tilespmem:s3+$0x142A0] =	vst v0;
	s3 =	sshra.s32 s4, $0x2;
	s4 =	sadd.s32 $0x200, s4  }
0x35: {  	[tilespmem:s3+$0x142B0] =	vst v0  }
0x36: {  	[tilespmem:s3+$0x14240] =	vst v0  }
0x37: {  	[tilespmem:s3+$0x14250] =	vst v0  }
0x38: {  	[tilespmem:s3+$0x14260] =	vst v0  }
0x39: {  	[tilespmem:s3+$0x14270] =	vst v0  }
0x3a: {  	[tilespmem:s3+$0x14280] =	vst v0  }
0x3b: {  	[tilespmem:s3+$0x14290] =	vst v0  }
0x3c: {  	[tilespmem:s3+$0x142A0] =	vst v0  }
0x3d: {  	[spmem:s19] =	stream.linear.scatter [tilespmem:s22], [sflag:$0x3], $0x2000, $0x38;
	[tilespmem:$0x18240] =	vst v63  }
0x3e: {  	_ =	swait.ge [sflag:s23], $0x2000  }
0x3f: {  	[sflag:s23] =	ssyncset.done $0x0  }
0x40: {  	s6 =	rddreg [dreg:$0x1a];
	[sflag:s23] =	ssyncadd.s32 $0xFFFFE000  }
0x41: {  	[spmem:s6] =	stream.linear.scatter [tilespmem:s22], [sflag:$0x3], $0x2000, $0x38;
	[tilespmem:$0x18240] =	vst v63  }
0x42: {  	_ =	swait.ge [sflag:s23], $0x2000  }
0x43: {  	[sflag:s23] =	ssyncset.done $0x0  }
0x44: {  	s7 =	rddreg [dreg:$0x1b];
	[sflag:s23] =	ssyncadd.s32 $0xFFFFE000  }
0x45: {  	[spmem:s7] =	stream.linear.scatter [tilespmem:s22], [sflag:$0x3], $0x2000, $0x38;
	[tilespmem:$0x18240] =	vst v63  }
0x46: {  	_ =	swait.ge [sflag:s23], $0x2000  }
0x47: {  	[sflag:s23] =	ssyncset.done $0x0  }
0x48: {  	s20 =	rddreg [dreg:$0x1c];
	[sflag:s23] =	ssyncadd.s32 $0xFFFFE000  }
0x49: {  	[spmem:s20] =	stream.linear.scatter [tilespmem:s22], [sflag:$0x3], $0x2000, $0x38;
	[tilespmem:$0x18240] =	vst v63  }
0x4a: {  	_ =	swait.ge [sflag:s23], $0x2000  }
0x4b: {  	[sflag:s23] =	ssyncset.done $0x0  }
0x4c: {  	s21 =	rddreg [dreg:$0x1d];
	[sflag:s23] =	ssyncadd.s32 $0xFFFFE000  }
0x4d: {  	[spmem:s21] =	stream.linear.scatter [tilespmem:s22], [sflag:$0x3], $0x2000, $0x38;
	[tilespmem:$0x18240] =	vst v63  }
0x4e: {  	_ =	swait.ge [sflag:s23], $0x2000  }
0x4f: {  	[sflag:s23] =	ssyncset.done $0x0  }
0x50: {  	s4 =	rddreg [dreg:$0x1e];
	[sflag:s23] =	ssyncadd.s32 $0xFFFFE000  }
0x51: {  	[spmem:s4] =	stream.linear.scatter [tilespmem:s22], [sflag:$0x3], $0x2000, $0x38;
	[tilespmem:$0x18240] =	vst v63  }
0x52: {  	_ =	swait.ge [sflag:s23], $0x2000  }
0x53: {  	[sflag:s23] =	ssyncset.done $0x0  }
0x54: {  	s5 =	rddreg [dreg:$0x1f];
	[sflag:s23] =	ssyncadd.s32 $0xFFFFE000  }
0x55: {  	[spmem:s5] =	stream.linear.scatter [tilespmem:s22], [sflag:$0x3], $0x2000, $0x38;
	[tilespmem:$0x18240] =	vst v63  }
0x56: {  	_ =	swait.ge [sflag:s23], $0x2000  }
0x57: {  	[sflag:s23] =	ssyncset.done $0x0  }
0x58: {  	[sflag:s23] =	ssyncadd.s32 $0xFFFFE000  }
0x59: {  	[spmem:s9] =	stream.linear.scatter [tilespmem:s22], [sflag:$0x3], $0x2000, $0x38;
	[tilespmem:$0x18240] =	vst v63  }
0x5a: {  	_ =	swait.ge [sflag:s23], $0x2000  }
0x5b: {  	[sflag:s23] =	ssyncset.done $0x0  }
0x5c: {  	[sflag:s23] =	ssyncadd.s32 $0xFFFFE000  }
0x5d: {  	[spmem:s10] =	stream.linear.scatter [tilespmem:s22], [sflag:$0x3], $0x2000, $0x38;
	[tilespmem:$0x18240] =	vst v63  }
0x5e: {  	_ =	swait.ge [sflag:s23], $0x2000  }
0x5f: {  	[sflag:s23] =	ssyncset.done $0x0  }
0x60: {  	[sflag:s23] =	ssyncadd.s32 $0xFFFFE000  }
0x61: {  	[spmem:s12] =	stream.linear.scatter [tilespmem:s22], [sflag:$0x3], $0x2000, $0x38;
	[tilespmem:$0x18240] =	vst v63  }
0x62: {  	_ =	swait.ge [sflag:s23], $0x2000  }
0x63: {  	[sflag:s23] =	ssyncset.done $0x0  }
0x64: {  	[sflag:s23] =	ssyncadd.s32 $0xFFFFE000  }
0x65: {  	[bflag:$0x0] =	sbarrier.arrive $0xFFFF  }
0x66: {  	s6 =	rddreg [dreg:$0xe]  }
0x67: {  	[tilespmem:s24], [sflag:$0x3] =	stream.linear.gather [hbm4b:s6+s2], $0x80, $0x38;
	[tilespmem:$0x18240] =	vst v63  }
0x68: {  	_ =	swait.ge [sflag:s23], $0x80  }
0x69: {  	s7 =	simm.s32 $0x0;
	[sflag:s23] =	ssyncset.done $0x0  }
0x6a: {  	s3 =	sand.u32 $0x300, s7;
	s4 =	sand.u32 $0x7C00, s7;
	[sflag:s23] =	ssyncadd.s32 $0xFFFFFF80  }
0x6b: {  	[tilespmem:s25], [sflag:$0x3] =	stream.linear.gather [hbm4b:s8+s2], $0x80, $0x38;
	[tilespmem:$0x18240] =	vst v63  }
0x6c: {  	s3 =	sor.u32 $0x80, s3;
	s5 =	sadd.s32 s16, s4;
	_ =	swait.ge [sflag:s23], $0x80  }
0x6d: {  	s5 =	sor.u32 s3, s5;
	[sflag:s23] =	ssyncset.done $0x0  }
0x6e: {  	s5 =	sshrl.u32 s5, $0x3;
	[sflag:s23] =	ssyncadd.s32 $0xFFFFFF80  }
0x6f: {  	[tilespmem:s22], [sflag:$0x1] =	stream.indirect.gather [hbm4b:s1+s26], $0x80, s24, s26, $0xb8;
	[tilespmem:$0x18240] =	vst v63  }
0x70: {  	s4 =	sadd.s32 s14, s4;
	s5 =	sadd.s32 s17, s5  }
0x71: {  	[tilespmem:s28], [sflag:$0x3] =	stream.linear.gather [hbm4b:s5+s2], $0x80, $0x38;
	[tilespmem:$0x18240] =	vst v63  }
0x72: {  	s3 =	sor.u32 s3, s4;
	_ =	swait.ge [sflag:s23], $0x80  }
0x73: {  	s3 =	sshrl.u32 s3, $0x3;
	[sflag:s23] =	ssyncset.done $0x0  }
0x74: {  	s3 =	sadd.s32 s18, s3;
	[sflag:s23] =	ssyncadd.s32 $0xFFFFFF80  }
0x75: {  	[tilespmem:s29], [sflag:$0x3] =	stream.linear.gather [hbm4b:s3+s2], $0x80, $0x38;
	[tilespmem:$0x18240] =	vst v63  }
0x76: {  	_ =	swait.ge [sflag:s23], $0x80  }
0x77: {  	[sflag:s23] =	ssyncset.done $0x0  }
0x78: {  	[sflag:s23] =	ssyncadd.s32 $0xFFFFFF80  }
0x79: {  	[tilespmem:s30], [sflag:$0x2] =	stream.indirect.gather [hbm4b:s1+s26], $0x80, s28, s26, $0xb8;
	[tilespmem:$0x18240] =	vst v63  }
0x7a: {  	s20 =	simm.s32 $0x100;
	_ =	swait.ge [sflag:s31], $0x2000  }
0x7b: {  	s21 =	sand.u32 $0xFC00, s20;
	[sflag:s31] =	ssyncset.done $0x0  }
0x7c: {  	s6 =	sadd.s32 s16, s21;
	s3 =	sand.u32 $0x300, s20;
	[sflag:s31] =	ssyncadd.s32 $0xFFFFE000  }
0x7d: {  	[spmem:s13] =	stream.indirect.scatter.add.f32 [tilespmem:s22], [sflag:$0x3], $0x80, s25, s26, $0xb8;
	[tilespmem:$0x18240] =	vst v63  }
0x7e: {  	s5 =	sor.u32 s3, s6;
	_ =	swait.ge [sflag:s23], $0x2000  }
0x7f: {  	s5 =	sshrl.u32 s5, $0x3;
	[sflag:s23] =	ssyncset.done $0x0  }
0x80: {  	s4 =	sadd.s32 s14, s21;
	s5 =	sadd.s32 s17, s5;
	[sflag:s23] =	ssyncadd.s32 $0xFFFFE000  }
0x81: {  	[tilespmem:s24], [sflag:$0x3] =	stream.linear.gather [hbm4b:s5+s2], $0x80, $0x38;
	[tilespmem:$0x18240] =	vst v63  }
0x82: {  	s3 =	sor.u32 s3, s4;
	_ =	swait.ge [sflag:s23], $0x80  }
0x83: {  	s3 =	sshrl.u32 s3, $0x3;
	[sflag:s23] =	ssyncset.done $0x0  }
0x84: {  	s3 =	sadd.s32 s18, s3;
	[sflag:s23] =	ssyncadd.s32 $0xFFFFFF80  }
0x85: {  	[tilespmem:s25], [sflag:$0x3] =	stream.linear.gather [hbm4b:s3+s2], $0x80, $0x38;
	[tilespmem:$0x18240] =	vst v63  }
0x86: {  	s7 =	simm.s32 $0x100;
	_ =	swait.ge [sflag:s23], $0x80  }
0x87: {  	s21 =	sand.u32 $0x7C00, s7;
	s20 =	simm.s32 $0x200;
	[sflag:s23] =	ssyncset.done $0x0  }
0x88: {  	s4 =	sand.u32 $0x300, s7;
	s6 =	sadd.s32 s16, s21;
	[sflag:s23] =	ssyncadd.s32 $0xFFFFFF80  }
0x89: {  	[tilespmem:s22], [sflag:$0x1] =	stream.indirect.gather [hbm4b:s1+s26], $0x80, s24, s26, $0xb8;
	[tilespmem:$0x18240] =	vst v63  }
0x8a: {  	s21 =	sadd.s32 s14, s21;
	s4 =	sor.u32 $0x80, s4;
	_ =	swait.ge [sflag:s11], $0x2000  }
0x8b: {  	s6 =	sor.u32 s4, s6;
	s3 =	simm.s32 $0x300;
	[sflag:s11] =	ssyncset.done $0x0  }
.LBB2_4:
0x8c: {  	s6 =	sshrl.u32 s6, $0x3  }
0x8d: {  	[sflag:s11] =	ssyncadd.s32 $0xFFFFE000;
	s7 =	smov.u32 s3;
	s5 =	sadd.s32 $0x100, s3  }
0x8e: {  	[spmem:s13] =	stream.indirect.scatter.add.f32 [tilespmem:s30], [sflag:$0x3], $0x80, s29, s26, $0xb8;
	[tilespmem:$0x18240] =	vst v63  }
0x8f: {  	p0 =	sne.s32 s3, $0x4F00;
	_ =	swait.ge [sflag:s23], $0x2000  }
0x90: {  	[sflag:s23] =	ssyncset.done $0x0  }
0x91: {  	s3 =	sadd.s32 s17, s6;
	[sflag:s23] =	ssyncadd.s32 $0xFFFFE000  }
0x92: {  	[tilespmem:s28], [sflag:$0x3] =	stream.linear.gather [hbm4b:s3+s2], $0x80, $0x38;
	[tilespmem:$0x18240] =	vst v63  }
0x93: {  	s3 =	sor.u32 s4, s21;
	_ =	swait.ge [sflag:s23], $0x80  }
0x94: {  	s3 =	sshrl.u32 s3, $0x3;
	[sflag:s23] =	ssyncset.done $0x0  }
0x95: {  	s3 =	sadd.s32 s18, s3;
	[sflag:s23] =	ssyncadd.s32 $0xFFFFFF80  }
0x96: {  	[tilespmem:s29], [sflag:$0x3] =	stream.linear.gather [hbm4b:s3+s2], $0x80, $0x38;
	[tilespmem:$0x18240] =	vst v63  }
0x97: {  	_ =	swait.ge [sflag:s23], $0x80  }
0x98: {  	[sflag:s23] =	ssyncset.done $0x0  }
0x99: {  	[sflag:s23] =	ssyncadd.s32 $0xFFFFFF80  }
0x9a: {  	[tilespmem:s30], [sflag:$0x2] =	stream.indirect.gather [hbm4b:s1+s26], $0x80, s28, s26, $0xb8;
	[tilespmem:$0x18240] =	vst v63  }
0x9b: {  	_ =	swait.ge [sflag:s31], $0x2000  }
0x9c: {  	[sflag:s31] =	ssyncset.done $0x0  }
0x9d: {  	s4 =	sand.u32 $0x300, s20;
	s3 =	sand.u32 $0xFC00, s20;
	[sflag:s31] =	ssyncadd.s32 $0xFFFFE000  }
0x9e: {  	[spmem:s13] =	stream.indirect.scatter.add.f32 [tilespmem:s22], [sflag:$0x3], $0x80, s25, s26, $0xb8;
	[tilespmem:$0x18240] =	vst v63  }
0x9f: {  	s6 =	sadd.s32 s16, s3;
	s3 =	sadd.s32 s14, s3;
	_ =	swait.ge [sflag:s23], $0x2000  }
0xa0: {  	s6 =	sor.u32 s4, s6;
	s3 =	sor.u32 s4, s3;
	[sflag:s23] =	ssyncset.done $0x0  }
0xa1: {  	s4 =	sshrl.u32 s6, $0x3;
	s3 =	sshrl.u32 s3, $0x3;
	[sflag:s23] =	ssyncadd.s32 $0xFFFFE000  }
0xa2: {  	s20 =	smov.u32 s7;
	s4 =	sadd.s32 s17, s4  }
0xa3: {  	[tilespmem:s24], [sflag:$0x3] =	stream.linear.gather [hbm4b:s4+s2], $0x80, $0x38;
	[tilespmem:$0x18240] =	vst v63  }
0xa4: {  	_ =	swait.ge [sflag:s23], $0x80  }
0xa5: {  	[sflag:s23] =	ssyncset.done $0x0  }
0xa6: {  	s3 =	sadd.s32 s18, s3;
	[sflag:s23] =	ssyncadd.s32 $0xFFFFFF80  }
0xa7: {  	[tilespmem:s25], [sflag:$0x3] =	stream.linear.gather [hbm4b:s3+s2], $0x80, $0x38;
	[tilespmem:$0x18240] =	vst v63  }
0xa8: {  	s3 =	sadd.s32 $0xFFFFFF00, s20;
	_ =	swait.ge [sflag:s23], $0x80  }
.Ltmp1:
0xa9: {  	s7 =	sand.u32 $0x7C00, s3;
	[sflag:s23] =	ssyncset.done $0x0;
	(pc) =	sbr.rel @p0 .LBB2_4-.Ltmp1, $4  }
0xaa: {  	s3 =	sand.u32 $0x300, s3;
	s6 =	sadd.s32 s16, s7;
	[sflag:s23] =	ssyncadd.s32 $0xFFFFFF80  }
0xab: {  	[tilespmem:s22], [sflag:$0x1] =	stream.indirect.gather [hbm4b:s1+s26], $0x80, s24, s26, $0xb8;
	[tilespmem:$0x18240] =	vst v63  }
0xac: {  	s4 =	sor.u32 $0x80, s3;
	s21 =	sadd.s32 s14, s7;
	_ =	swait.ge [sflag:s11], $0x2000  }
0xad: {  	s3 =	smov.u32 s5;
	s6 =	sor.u32 s4, s6;
	[sflag:s11] =	ssyncset.done $0x0  }
0xae: {  	[sflag:s11] =	ssyncadd.s32 $0xFFFFE000  }
0xaf: {  	[spmem:s13] =	stream.indirect.scatter.add.f32 [tilespmem:s30], [sflag:$0x3], $0x80, s29, s26, $0xb8;
	[tilespmem:$0x18240] =	vst v63  }
0xb0: {  	_ =	swait.ge [sflag:s23], $0x2000  }
0xb1: {  	s3 =	sshrl.u32 s6, $0x3;
	[sflag:s23] =	ssyncset.done $0x0  }
0xb2: {  	s3 =	sadd.s32 s17, s3;
	[sflag:s23] =	ssyncadd.s32 $0xFFFFE000  }
0xb3: {  	[tilespmem:s28], [sflag:$0x3] =	stream.linear.gather [hbm4b:s3+s2], $0x80, $0x38;
	[tilespmem:$0x18240] =	vst v63  }
0xb4: {  	s21 =	sor.u32 s4, s21;
	_ =	swait.ge [sflag:s23], $0x80  }
0xb5: {  	s3 =	sshrl.u32 s21, $0x3;
	[sflag:s23] =	ssyncset.done $0x0  }
0xb6: {  	s3 =	sadd.s32 s18, s3;
	[sflag:s23] =	ssyncadd.s32 $0xFFFFFF80  }
0xb7: {  	[tilespmem:s29], [sflag:$0x3] =	stream.linear.gather [hbm4b:s3+s2], $0x80, $0x38;
	[tilespmem:$0x18240] =	vst v63  }
0xb8: {  	_ =	swait.ge [sflag:s23], $0x80  }
0xb9: {  	[sflag:s23] =	ssyncset.done $0x0  }
0xba: {  	[sflag:s23] =	ssyncadd.s32 $0xFFFFFF80  }
0xbb: {  	[tilespmem:s30], [sflag:$0x2] =	stream.indirect.gather [hbm4b:s1+s26], $0x80, s28, s26, $0xb8;
	[tilespmem:$0x18240] =	vst v63  }
0xbc: {  	_ =	swait.ge [sflag:s31], $0x2000  }
0xbd: {  	s4 =	sand.u32 $0xFC00, s20;
	[sflag:s31] =	ssyncset.done $0x0  }
0xbe: {  	s6 =	sand.u32 $0x300, s20;
	s5 =	sadd.s32 s16, s4;
	[sflag:s31] =	ssyncadd.s32 $0xFFFFE000  }
0xbf: {  	[spmem:s13] =	stream.indirect.scatter.add.f32 [tilespmem:s22], [sflag:$0x3], $0x80, s25, s26, $0xb8;
	[tilespmem:$0x18240] =	vst v63  }
0xc0: {  	s5 =	sor.u32 s6, s5;
	_ =	swait.ge [sflag:s23], $0x2000  }
0xc1: {  	s5 =	sshrl.u32 s5, $0x3;
	[sflag:s23] =	ssyncset.done $0x0  }
0xc2: {  	s5 =	sadd.s32 s17, s5;
	s3 =	sadd.s32 s14, s4;
	[sflag:s23] =	ssyncadd.s32 $0xFFFFE000  }
0xc3: {  	[tilespmem:s24], [sflag:$0x3] =	stream.linear.gather [hbm4b:s5+s2], $0x80, $0x38;
	[tilespmem:$0x18240] =	vst v63  }
0xc4: {  	s3 =	sor.u32 s6, s3;
	_ =	swait.ge [sflag:s23], $0x80  }
0xc5: {  	s3 =	sshrl.u32 s3, $0x3;
	[sflag:s23] =	ssyncset.done $0x0  }
0xc6: {  	s3 =	sadd.s32 s18, s3;
	[sflag:s23] =	ssyncadd.s32 $0xFFFFFF80  }
0xc7: {  	[tilespmem:s25], [sflag:$0x3] =	stream.linear.gather [hbm4b:s3+s2], $0x80, $0x38;
	[tilespmem:$0x18240] =	vst v63  }
0xc8: {  	_ =	swait.ge [sflag:s23], $0x80  }
0xc9: {  	[sflag:s23] =	ssyncset.done $0x0  }
0xca: {  	[sflag:s23] =	ssyncadd.s32 $0xFFFFFF80  }
0xcb: {  	[tilespmem:s22], [sflag:$0x1] =	stream.indirect.gather [hbm4b:s1+s26], $0x80, s24, s26, $0xb8;
	[tilespmem:$0x18240] =	vst v63  }
0xcc: {  	_ =	swait.ge [sflag:s11], $0x2000  }
0xcd: {  	[sflag:s11] =	ssyncset.done $0x0  }
0xce: {  	[sflag:s11] =	ssyncadd.s32 $0xFFFFE000  }
0xcf: {  	[spmem:s13] =	stream.indirect.scatter.add.f32 [tilespmem:s30], [sflag:$0x3], $0x80, s29, s26, $0xb8;
	[tilespmem:$0x18240] =	vst v63  }
0xd0: {  	_ =	swait.ge [sflag:s23], $0x2000  }
0xd1: {  	[sflag:s23] =	ssyncset.done $0x0  }
0xd2: {  	s7 =	rddreg [dreg:$0x19];
	[sflag:s23] =	ssyncadd.s32 $0xFFFFE000  }
0xd3: {  	[tilespmem:s28], [sflag:$0x3] =	stream.linear.gather [hbm4b:s7+s2], $0x80, $0x38;
	[tilespmem:$0x18240] =	vst v63  }
0xd4: {  	_ =	swait.ge [sflag:s23], $0x80  }
0xd5: {  	[sflag:s23] =	ssyncset.done $0x0  }
0xd6: {  	[sflag:s23] =	ssyncadd.s32 $0xFFFFFF80  }
0xd7: {  	[tilespmem:s29], [sflag:$0x3] =	stream.linear.gather [hbm4b:s15+s2], $0x80, $0x38;
	[tilespmem:$0x18240] =	vst v63  }
0xd8: {  	_ =	swait.ge [sflag:s23], $0x80  }
0xd9: {  	[sflag:s23] =	ssyncset.done $0x0  }
0xda: {  	[sflag:s23] =	ssyncadd.s32 $0xFFFFFF80  }
0xdb: {  	[tilespmem:s30], [sflag:$0x2] =	stream.indirect.gather [hbm4b:s1+s26], $0x80, s28, s26, $0xb8;
	[tilespmem:$0x18240] =	vst v63  }
0xdc: {  	_ =	swait.ge [sflag:s31], $0x2000  }
0xdd: {  	[sflag:s31] =	ssyncset.done $0x0  }
0xde: {  	[sflag:s31] =	ssyncadd.s32 $0xFFFFE000  }
0xdf: {  	[spmem:s13] =	stream.indirect.scatter.add.f32 [tilespmem:s22], [sflag:$0x3], $0x80, s25, s26, $0xb8;
	[tilespmem:$0x18240] =	vst v63  }
0xe0: {  	_ =	swait.ge [sflag:s23], $0x2000  }
0xe1: {  	[sflag:s23] =	ssyncset.done $0x0  }
0xe2: {  	[sflag:s23] =	ssyncadd.s32 $0xFFFFE000  }
0xe3: {  	_ =	swait.ge [sflag:s11], $0x2000  }
0xe4: {  	[sflag:s11] =	ssyncset.done $0x0  }
0xe5: {  	[sflag:s11] =	ssyncadd.s32 $0xFFFFE000  }
0xe6: {  	[spmem:s13] =	stream.indirect.scatter.add.f32 [tilespmem:s30], [sflag:$0x3], $0x80, s29, s26, $0xb8;
	[tilespmem:$0x18240] =	vst v63  }
0xe7: {  	_ =	swait.ge [sflag:s23], $0x2000  }
0xe8: {  	[sflag:s23] =	ssyncset.done $0x0  }
0xe9: {  	[sflag:s23] =	ssyncadd.s32 $0xFFFFE000  }
0xea: {  	[bflag:$0x0] =	sbarrier.arrive $0xFFFF  }
0xeb: {  	[tilespmem:s22], [sflag:$0x3] =	stream.linear.gather [spmem:s19], $0x2000, $0x38;
	[tilespmem:$0x18240] =	vst v63  }
0xec: {  	_ =	swait.ge [sflag:s23], $0x2000  }
0xed: {  	[sflag:s23] =	ssyncset.done $0x0  }
0xee: {  	s20 =	rddreg [dreg:$0x4];
	[sflag:s23] =	ssyncadd.s32 $0xFFFFE000  }
0xef: {  	[hbm4b:s20+s2] =	stream.linear.scatter [tilespmem:s22], [sflag:$0x3], $0x2000, $0x38;
	[tilespmem:$0x18240] =	vst v63  }
0xf0: {  	_ =	swait.ge [sflag:s23], $0x2000  }
0xf1: {  	[sflag:s23] =	ssyncset.done $0x0  }
0xf2: {  	s21 =	rddreg [dreg:$0x10];
	[sflag:s23] =	ssyncadd.s32 $0xFFFFE000  }
0xf3: {  	[tilespmem:s22], [sflag:$0x3] =	stream.linear.gather [spmem:s21], $0x2000, $0x38;
	[tilespmem:$0x18240] =	vst v63  }
0xf4: {  	_ =	swait.ge [sflag:s23], $0x2000  }
0xf5: {  	[sflag:s23] =	ssyncset.done $0x0  }
0xf6: {  	s4 =	rddreg [dreg:$0x5];
	[sflag:s23] =	ssyncadd.s32 $0xFFFFE000  }
0xf7: {  	[hbm4b:s4+s2] =	stream.linear.scatter [tilespmem:s22], [sflag:$0x3], $0x2000, $0x38;
	[tilespmem:$0x18240] =	vst v63  }
0xf8: {  	_ =	swait.ge [sflag:s23], $0x2000  }
0xf9: {  	[sflag:s23] =	ssyncset.done $0x0  }
0xfa: {  	s5 =	rddreg [dreg:$0x11];
	[sflag:s23] =	ssyncadd.s32 $0xFFFFE000  }
0xfb: {  	[tilespmem:s22], [sflag:$0x3] =	stream.linear.gather [spmem:s5], $0x2000, $0x38;
	[tilespmem:$0x18240] =	vst v63  }
0xfc: {  	_ =	swait.ge [sflag:s23], $0x2000  }
0xfd: {  	[sflag:s23] =	ssyncset.done $0x0  }
0xfe: {  	s6 =	rddreg [dreg:$0x6];
	[sflag:s23] =	ssyncadd.s32 $0xFFFFE000  }
0xff: {  	[hbm4b:s6+s2] =	stream.linear.scatter [tilespmem:s22], [sflag:$0x3], $0x2000, $0x38;
	[tilespmem:$0x18240] =	vst v63  }
0x100: {  	_ =	swait.ge [sflag:s23], $0x2000  }
0x101: {  	[sflag:s23] =	ssyncset.done $0x0  }
0x102: {  	s7 =	rddreg [dreg:$0x12];
	[sflag:s23] =	ssyncadd.s32 $0xFFFFE000  }
0x103: {  	[tilespmem:s22], [sflag:$0x3] =	stream.linear.gather [spmem:s7], $0x2000, $0x38;
	[tilespmem:$0x18240] =	vst v63  }
0x104: {  	_ =	swait.ge [sflag:s23], $0x2000  }
0x105: {  	[sflag:s23] =	ssyncset.done $0x0  }
0x106: {  	s20 =	rddreg [dreg:$0x7];
	[sflag:s23] =	ssyncadd.s32 $0xFFFFE000  }
0x107: {  	[hbm4b:s20+s2] =	stream.linear.scatter [tilespmem:s22], [sflag:$0x3], $0x2000, $0x38;
	[tilespmem:$0x18240] =	vst v63  }
0x108: {  	_ =	swait.ge [sflag:s23], $0x2000  }
0x109: {  	[sflag:s23] =	ssyncset.done $0x0  }
0x10a: {  	s21 =	rddreg [dreg:$0x13];
	[sflag:s23] =	ssyncadd.s32 $0xFFFFE000  }
0x10b: {  	[tilespmem:s22], [sflag:$0x3] =	stream.linear.gather [spmem:s21], $0x2000, $0x38;
	[tilespmem:$0x18240] =	vst v63  }
0x10c: {  	_ =	swait.ge [sflag:s23], $0x2000  }
0x10d: {  	[sflag:s23] =	ssyncset.done $0x0  }
0x10e: {  	s4 =	rddreg [dreg:$0x8];
	[sflag:s23] =	ssyncadd.s32 $0xFFFFE000  }
0x10f: {  	[hbm4b:s4+s2] =	stream.linear.scatter [tilespmem:s22], [sflag:$0x3], $0x2000, $0x38;
	[tilespmem:$0x18240] =	vst v63  }
0x110: {  	_ =	swait.ge [sflag:s23], $0x2000  }
0x111: {  	[sflag:s23] =	ssyncset.done $0x0  }
0x112: {  	s5 =	rddreg [dreg:$0x14];
	[sflag:s23] =	ssyncadd.s32 $0xFFFFE000  }
0x113: {  	[tilespmem:s22], [sflag:$0x3] =	stream.linear.gather [spmem:s5], $0x2000, $0x38;
	[tilespmem:$0x18240] =	vst v63  }
0x114: {  	_ =	swait.ge [sflag:s23], $0x2000  }
0x115: {  	[sflag:s23] =	ssyncset.done $0x0  }
0x116: {  	s6 =	rddreg [dreg:$0x9];
	[sflag:s23] =	ssyncadd.s32 $0xFFFFE000  }
0x117: {  	[hbm4b:s6+s2] =	stream.linear.scatter [tilespmem:s22], [sflag:$0x3], $0x2000, $0x38;
	[tilespmem:$0x18240] =	vst v63  }
0x118: {  	_ =	swait.ge [sflag:s23], $0x2000  }
0x119: {  	[sflag:s23] =	ssyncset.done $0x0  }
0x11a: {  	s7 =	rddreg [dreg:$0x15];
	[sflag:s23] =	ssyncadd.s32 $0xFFFFE000  }
0x11b: {  	[tilespmem:s22], [sflag:$0x3] =	stream.linear.gather [spmem:s7], $0x2000, $0x38;
	[tilespmem:$0x18240] =	vst v63  }
0x11c: {  	_ =	swait.ge [sflag:s23], $0x2000  }
0x11d: {  	[sflag:s23] =	ssyncset.done $0x0  }
0x11e: {  	s20 =	rddreg [dreg:$0xa];
	[sflag:s23] =	ssyncadd.s32 $0xFFFFE000  }
0x11f: {  	[hbm4b:s20+s2] =	stream.linear.scatter [tilespmem:s22], [sflag:$0x3], $0x2000, $0x38;
	[tilespmem:$0x18240] =	vst v63  }
0x120: {  	_ =	swait.ge [sflag:s23], $0x2000  }
0x121: {  	[sflag:s23] =	ssyncset.done $0x0  }
0x122: {  	s21 =	rddreg [dreg:$0x16];
	[sflag:s23] =	ssyncadd.s32 $0xFFFFE000  }
0x123: {  	[tilespmem:s22], [sflag:$0x3] =	stream.linear.gather [spmem:s21], $0x2000, $0x38;
	[tilespmem:$0x18240] =	vst v63  }
0x124: {  	_ =	swait.ge [sflag:s23], $0x2000  }
0x125: {  	[sflag:s23] =	ssyncset.done $0x0  }
0x126: {  	s4 =	rddreg [dreg:$0xb];
	[sflag:s23] =	ssyncadd.s32 $0xFFFFE000  }
0x127: {  	[hbm4b:s4+s2] =	stream.linear.scatter [tilespmem:s22], [sflag:$0x3], $0x2000, $0x38;
	[tilespmem:$0x18240] =	vst v63  }
0x128: {  	_ =	swait.ge [sflag:s23], $0x2000  }
0x129: {  	[sflag:s23] =	ssyncset.done $0x0  }
0x12a: {  	s5 =	rddreg [dreg:$0x17];
	[sflag:s23] =	ssyncadd.s32 $0xFFFFE000  }
0x12b: {  	[tilespmem:s22], [sflag:$0x3] =	stream.linear.gather [spmem:s5], $0x2000, $0x38;
	[tilespmem:$0x18240] =	vst v63  }
0x12c: {  	_ =	swait.ge [sflag:s23], $0x2000  }
0x12d: {  	[sflag:s23] =	ssyncset.done $0x0  }
0x12e: {  	s6 =	rddreg [dreg:$0xc];
	[sflag:s23] =	ssyncadd.s32 $0xFFFFE000  }
0x12f: {  	[hbm4b:s6+s2] =	stream.linear.scatter [tilespmem:s22], [sflag:$0x3], $0x2000, $0x38;
	[tilespmem:$0x18240] =	vst v63  }
0x130: {  	_ =	swait.ge [sflag:s23], $0x2000  }
0x131: {  	[sflag:s23] =	ssyncset.done $0x0  }
0x132: {  	s7 =	rddreg [dreg:$0x18];
	[sflag:s23] =	ssyncadd.s32 $0xFFFFE000  }
0x133: {  	[tilespmem:s22], [sflag:$0x3] =	stream.linear.gather [spmem:s7], $0x2000, $0x38;
	[tilespmem:$0x18240] =	vst v63  }
0x134: {  	_ =	swait.ge [sflag:s23], $0x2000  }
0x135: {  	[sflag:s23] =	ssyncset.done $0x0  }
0x136: {  	s20 =	rddreg [dreg:$0xd];
	[sflag:s23] =	ssyncadd.s32 $0xFFFFE000  }
0x137: {  	[hbm4b:s20+s2] =	stream.linear.scatter [tilespmem:s22], [sflag:$0x3], $0x2000, $0x38;
	[tilespmem:$0x18240] =	vst v63  }
0x138: {  	_ =	swait.ge [sflag:s23], $0x2000  }
0x139: {  	s0 =	sadd.s32 $0x1, s0;
	s21 =	rddreg [dreg:$0xf]  }
0x13a: {  	p0 =	sne.s32 s0, s21  }
.Ltmp2:
0x13b: {  	_ = 	snop;
	(pc) =	sbr.rel @p0 .LBB2_1-.Ltmp2, $3  }
0x13c: {  	_ =	sdelay $0x1  }
0x13d: {  	[sflag:s23] =	ssyncset.done $0x0  }
0x13e: {  	[sflag:s23] =	ssyncadd.s32 $0xFFFFE000  }
0x13f: {  	_ =	sfence.sel $0x180000  }
0x140: {  	[bflag:$0x0] =	sbarrier.arrive $0xFFFF  }
0x141: {  	_ =	strace $0x90000047  }
0x142: {  	s0 =	stileid.u32;
	[bflag:$0x2] =	sbarrier.arrive $0xFFFF  }
0x143: {  	p0 =	sne.s32 s0, $0x0;
	s0 =	rddreg [dreg:$0x3]  }
0x144: {  	s0 =	sadd.s32 @!p0 $0x100000, s0  }
0x145: {  	[sflag:s0] =	ssyncadd.tile.s32 @!p0 $0x1;
	_ =	shalt  }
.Lfunc_end2:
_tile_overlayer_lowered:
.L_overlay_start_2:
0x146: {  	(tag) =	ssettag $0x2  }
0x147: {  	s0 =	rddreg [dreg:$0x0];
	s2 =	stileid.u32  }
0x148: {  	s1 =	rddreg [dreg:$0x1];
	p0 =	sne.s32 s2, $0x0  }
0x149: {  	s3 =	rddreg [dreg:$0x2];
	[bflag:$0x3] =	sbarrier.arrive $0xFFFF;
	s2 =	simm.s32 @!p0 $0x1C03  }
0x14a: {  	[timem:s3], [sflag:s2] =	dma.local @!p0 [hbm:s0], s1  }
0x14b: {  	s0 =	simm.s32 @!p0 $0x3  }
0x14c: {  	_ =	swait.ge @!p0 [sflag:s0], s1  }
0x14d: {  	s1 =	ssub.s32 @!p0 $0x0, s1;
	[sflag:s0] =	ssyncset.done @!p0 $0x0  }
0x14e: {  	[sflag:s0] =	ssyncadd.s32 @!p0 s1  }
0x14f: {  	[bflag:$0x3] =	sbarrier.arrive $0xFFFF  }
0x150: {  	_ =	shalt  }

// kernel: kernel.8.cloned.1.call-start
scs
__scs_entry_jumppad:
0x0: {  	(pc) =	sbr.rel $0x88, $3  }
0x1: {  	(tag) =	ssettag $0x0;
	lr =	simm.s32 $0x1  }
0x2: {  	[smem:$0x3F93] =	sst lr;
	_ =	strace $0xD0000000  }
0x3: {  	_ = 	snop  }
0x4: {  	_ = 	snop  }
0x5: {  	_ = 	snop  }
0x6: {  	_ = 	snop  }
0x7: {  	_ = 	snop  }
__scs_overlays_trampoline_lowered:
0x8: {  	[smem:$0x3FA2] =	sst s0  }
0x9: {  	[smem:$0x3FA3] =	sst s1  }
0xa: {  	[smem:$0x3FA4] =	sst s2  }
0xb: {  	[smem:$0x3FA5] =	sst s3  }
0xc: {  	[smem:$0x3FA6] =	sst s4  }
0xd: {  	[smem:$0x3FA7] =	sst s5  }
0xe: {  	[smem:$0x3FA8] =	sst s6  }
0xf: {  	[smem:$0x3FA9] =	sst s7  }
0x10: {  	[smem:$0x3FAA] =	sst s8  }
0x11: {  	[smem:$0x3FAB] =	sst s9;
	s0 =	simm.s32 @!p0 $0x0  }
0x12: {  	s1 =	sld [smem:$0x3F91];
	s0 =	simm.s32 @p0 $0x1  }
0x13: {  	[smem:$0x3FAC] =	sst s0;
	s0 =	simm.s32 @!p1 $0x0  }
0x14: {  	s2 =	sld [smem:$0x3F90];
	s0 =	simm.s32 @p1 $0x1  }
0x15: {  	[smem:$0x3FAD] =	sst s0;
	s0 =	simm.s32 @!p2 $0x0  }
0x16: {  	s3 =	sld [smem:$0x3FDB];
	s0 =	simm.s32 @p2 $0x1  }
0x17: {  	s4 =	simm.s32 $0x1BF5;
	[smem:$0x3FAF] =	sst s0  }
0x18: {  	s0 =	sld [smem:$0x3F92];
	_ =	swait.ge [sflag:s4], $0x0  }
0x19: {  	s7 =	sld [smem:$0x3F93]  }
0x1a: {  	s8 =	sadd.s32 $0xFFFFE003, lr  }
0x1b: {  	s9 =	sadd.s32 $0xFFFFFEF7, lr;
	s5 =	simm.s32 $0xFFFFFFFF;
	p2 =	slt.u32 s8, $0xFFFFF086  }
0x1c: {  	p1 =	slt.u32 s9, $0xF7A;
	s5 =	simm.s32 @!p2 $0x0  }
0x1d: {  	s5 =	simm.s32 @p1 $0x1;
	p0 =	seq.s32 s7, s2  }
0x1e: {  	s7 =	smul.u32 @!p0 $0xF7A, s2;
	p2 =	seq.s32 @!p0 s5, $0x0  }
0x1f: {  	s9 =	smul.u32 $0xF7A, s1;
	s8 =	simm.s32 @!p0 $0x1BF5;
	p2 =	por !p2, p0  }
0x20: {  	[sflag:s8] =	ssyncset.s32 @!p0 $0xFFFFF086;
	s6 =	sadd.s32 @!p0 s3, s7;
	s7 =	simm.s32 @!p0 $0x108  }
0x21: {  	s3 =	sadd.s32 s3, s9;
	s6 =	sadd.s32 @!p0 $0x88, s6;
	s7 =	simm.s32 @p2 $0x1082  }
0x22: {  	[simem:s7], [sflag:s8] =	dma.local @!p0 [hbm:s6], $0xF7A  }
0x23: {  	s9 =	sor.u32 $0xD0000000, s2;
	s6 =	simm.s32 $0x108;
	_ =	swait.ge @!p0 [sflag:s8], $0x0  }
0x24: {  	s3 =	sadd.s32 $0x88, s3;
	s6 =	simm.s32 @!p1 $0x1082;
	[sflag:s4] =	ssyncset.s32 $0xFFFFF086  }
0x25: {  	[simem:s6], [sflag:s4] =	dma.local [hbm:s3], $0xF7A  }
0x26: {  	[smem:$0x3F93] =	sst s1;
	(tag) =	ssettag s2;
	_ =	strace s9  }
0x27: {  	s1 =	sld [smem:$0x3FA3]  }
0x28: {  	s2 =	sld [smem:$0x3FA4]  }
0x29: {  	s4 =	sld [smem:$0x3FA6]  }
0x2a: {  	p0 =	seq.s32 s5, $0x0;
	s5 =	sld [smem:$0x3FA7]  }
0x2b: {  	s6 =	sld [smem:$0x3FA8]  }
0x2c: {  	s7 =	sld [smem:$0x3FA9]  }
0x2d: {  	s3 =	simm.s32 $0x108;
	s8 =	sld [smem:$0x3FAA]  }
0x2e: {  	s3 =	simm.s32 @!p0 $0x1082;
	s9 =	sld [smem:$0x3FAB]  }
0x2f: {  	lr =	sadd.s32 s0, s3;
	s0 =	sld [smem:$0x3FA2]  }
0x30: {  	s3 =	sld [smem:$0x3FA5]  }
0x31: {  	[smem:$0x3FAE] =	sst s10  }
0x32: {  	s10 =	sld [smem:$0x3FAC];
	_ =	sdelay $0x3  }
0x33: {  	p0 =	seq.s32 s10, $0x1;
	s10 =	sld [smem:$0x3FAE];
	_ =	sdelay $0x3  }
0x34: {  	[smem:$0x3FAE] =	sst s10  }
0x35: {  	s10 =	sld [smem:$0x3FAD];
	_ =	sdelay $0x3  }
0x36: {  	p1 =	seq.s32 s10, $0x1;
	s10 =	sld [smem:$0x3FAE];
	_ =	sdelay $0x3  }
0x37: {  	[smem:$0x3FAE] =	sst s10  }
0x38: {  	s10 =	sld [smem:$0x3FAF]  }
0x39: {  	_ = 	snop;
	(pc) =	sbr.ind lr, $3  }
0x3a: {  	_ = 	snop  }
0x3b: {  	_ = 	snop  }
0x3c: {  	p2 =	seq.s32 s10, $0x1;
	s10 =	sld [smem:$0x3FAE]  }
0x3d: {  	_ =	shalt  }
0x3e: {  	_ =	shalt  }
0x3f: {  	_ =	shalt  }
0x40: {  	_ =	shalt  }
0x41: {  	_ =	shalt  }
0x42: {  	_ =	shalt  }
0x43: {  	_ =	shalt  }
0x44: {  	_ =	shalt  }
0x45: {  	_ =	shalt  }
0x46: {  	_ =	shalt  }
0x47: {  	_ =	shalt  }
0x48: {  	_ =	shalt  }
0x49: {  	_ =	shalt  }
0x4a: {  	_ =	shalt  }
0x4b: {  	_ =	shalt  }
0x4c: {  	_ =	shalt  }
0x4d: {  	_ =	shalt  }
0x4e: {  	_ =	shalt  }
0x4f: {  	_ =	shalt  }
0x50: {  	_ =	shalt  }
0x51: {  	_ =	shalt  }
0x52: {  	_ =	shalt  }
0x53: {  	_ =	shalt  }
0x54: {  	_ =	shalt  }
0x55: {  	_ =	shalt  }
0x56: {  	_ =	shalt  }
0x57: {  	_ =	shalt  }
0x58: {  	_ =	shalt  }
0x59: {  	_ =	shalt  }
0x5a: {  	_ =	shalt  }
0x5b: {  	_ =	shalt  }
0x5c: {  	_ =	shalt  }
0x5d: {  	_ =	shalt  }
0x5e: {  	_ =	shalt  }
0x5f: {  	_ =	shalt  }
0x60: {  	_ =	shalt  }
0x61: {  	_ =	shalt  }
0x62: {  	_ =	shalt  }
0x63: {  	_ =	shalt  }
0x64: {  	_ =	shalt  }
0x65: {  	_ =	shalt  }
0x66: {  	_ =	shalt  }
0x67: {  	_ =	shalt  }
0x68: {  	_ =	shalt  }
0x69: {  	_ =	shalt  }
0x6a: {  	_ =	shalt  }
0x6b: {  	_ =	shalt  }
0x6c: {  	_ =	shalt  }
0x6d: {  	_ =	shalt  }
0x6e: {  	_ =	shalt  }
0x6f: {  	_ =	shalt  }
0x70: {  	_ =	shalt  }
0x71: {  	_ =	shalt  }
0x72: {  	_ =	shalt  }
0x73: {  	_ =	shalt  }
0x74: {  	_ =	shalt  }
0x75: {  	_ =	shalt  }
0x76: {  	_ =	shalt  }
0x77: {  	_ =	shalt  }
0x78: {  	_ =	shalt  }
0x79: {  	_ =	shalt  }
0x7a: {  	_ =	shalt  }
0x7b: {  	_ =	shalt  }
0x7c: {  	_ =	shalt  }
0x7d: {  	_ =	shalt  }
0x7e: {  	_ =	shalt  }
0x7f: {  	_ =	shalt  }
0x80: {  	_ =	shalt  }
0x81: {  	_ =	shalt  }
0x82: {  	_ =	shalt  }
0x83: {  	_ =	shalt  }
0x84: {  	_ =	shalt  }
0x85: {  	_ =	shalt  }
0x86: {  	_ =	shalt  }
0x87: {  	_ =	shalt  }
.Lfunc_end0:
.L_simem_size_0:
called_computation.1_lowered:
.L_overlay_start_0:
0x88: {  	s2 =	sld [smem:$0x3FD9]  }
0x89: {  	s3 =	sld [smem:$0x3FFE];
	_ =	sdelay $0x1  }
0x8a: {  	s1 =	srdreg.scid  }
0x8b: {  	s0 =	sand.u32 $0x1, s1  }
0x8c: {  	s17 =	sshll.u32 s0, $0xA;
	s2 =	sadd.s32 s3, s2  }
0x8d: {  	s2 =	sadd.s32 s2, s17  }
0x8e: {  	[smem:$0x3FBA] =	sst s2  }
0x8f: {  	_ = 	snop  }
0x90: {  	(tm) =	ssettm $0x1  }
0x91: {  	s18 =	sld [smem:$0x3FFB];
	_ =	sdelay $0x3  }
0x92: {  	_ =	strace s18  }
0x93: {  	s2 =	sld [smem:$0x3FFC];
	_ =	sdelay $0x3  }
0x94: {  	_ =	strace s2  }
0x95: {  	s2 =	sld [smem:$0x3FFD];
	_ =	sdelay $0x3  }
0x96: {  	_ =	strace s2  }
0x97: {  	_ =	strace $0x8FFFFFFF  }
0x98: {  	s19 =	sld [smem:$0x3FDB];
	_ =	sdelay $0x1  }
0x99: {  	s20 =	simm.s32 $_scs_section_size  }
0x9a: {  	s4 =	simm.s32 $_size__tile_overlayer_lowered;
	s5 =	simm.s32 $_tile_overlayer_lowered  }
0x9b: {  	s6 =	simm.s32 $0x1BFF;
	s21 =	sshll.u32 s5, $0x1;
	s3 =	sadd.s32 s20, s19  }
0x9c: {  	s22 =	simm.s32 $0x0;
	s4 =	sshll.u32 s4, $0x1;
	s5 =	sadd.s32 s21, s3  }
0x9d: {  	[timem:s22], [sflag:s6] =	dma.local [hbm:s5], s4  }
0x9e: {  	_ =	swait.ge [sflag:s6], s4  }
0x9f: {  	s4 =	ssub.s32 $0x0, s4;
	[sflag:s6] =	ssyncset.done $0x0  }
0xa0: {  	[sflag:s6] =	ssyncadd.s32 s4;
	_ =	sdelay $0x1  }
0xa1: {  	s23 =	simm.s32 $0x1B8B  }
0xa2: {  	_ =	swait.ge [sflag:s23], $0x1  }
0xa3: {  	[sflag:s23] =	ssyncset.done $0x0  }
0xa4: {  	[sflag:s23] =	ssyncadd.s32 $0xFFFFFFFF  }
0xa5: {  	s4 =	sld [smem:$0x0]  }
0xa6: {  	s5 =	sand.u32 $0xFFFFFFFE, s1  }
0xa7: {  	p0 =	sne.s32 s1, s5  }
0xa8: {  	s5 =	sshll.u32 @p0 s5, $0xE  }
0xa9: {  	s5 =	sadd.s32 @p0 $0x11B8D, s5;
	s6 =	sshll.u32 @p0 s4, $0x11  }
0xaa: {  	s5 =	sor.u32 @p0 s6, s5  }
0xab: {  	[sflag:s5] =	ssyncadd.remote.s32 @p0 $0x1;
	_ =	sdelay $0x1  }
0xac: {  	s5 =	simm.s32 @p0 $0x1B8D  }
0xad: {  	_ =	swait.eq @p0 [sflag:s5], $0x1  }
0xae: {  	[sflag:s5] =	ssyncadd.s32 @p0 $0xFFFFFFFF  }
0xaf: {  	s6 =	sshll.u32 @!p0 s1, $0xE  }
0xb0: {  	s6 =	sor.u32 @!p0 $0x4000, s6;
	s5 =	simm.s32 @!p0 $0x1B8D  }
0xb1: {  	s4 =	sshll.u32 @!p0 s4, $0x11;
	s6 =	sadd.s32 @!p0 $0x11B8D, s6;
	_ =	swait.eq @!p0 [sflag:s5], $0x1  }
0xb2: {  	s4 =	sor.u32 @!p0 s4, s6;
	[sflag:s5] =	ssyncadd.s32 @!p0 $0xFFFFFFFF  }
0xb3: {  	s25 =	simm.s32 $0x1B8E;
	s24 =	sld [smem:$0x3FFE];
	[sflag:s4] =	ssyncadd.remote.s32 @!p0 $0x1  }
0xb4: {  	s26 =	simm.s32 $execute0_lowered;
	[smem:$0x3FD2] =	sst s25  }
0xb5: {  	s5 =	sshll.u32 s26, $0x1;
	_ =	strace $0x80000049;
	[dreg:$0x1] =	wrdreg $0xFFFFFFFF  }
0xb6: {  	s28 =	simm.s32 $_size_execute0_lowered;
	s3 =	sadd.s32 s3, s5;
	[dreg:$0x0] =	wrdreg $0x0  }
0xb7: {  	s5 =	sshll.u32 s28, $0x1;
	[dreg:$0x2] =	wrdreg s3  }
0xb8: {  	[dreg:$0x3] =	wrdreg s5  }
0xb9: {  	[dreg:$0x4] =	wrdreg $0xC0  }
0xba: {  	_ =	task [dreg:s22], $0x5FFFF  }
0xbb: {  	[dreg:$0x1] =	wrdreg $0xFFFFFFFF  }
0xbc: {  	[dreg:$0x0] =	wrdreg $0x60  }
0xbd: {  	[dreg:$0x2] =	wrdreg s24  }
0xbe: {  	[dreg:$0x3] =	wrdreg $0x0  }
0xbf: {  	[dreg:$0x4] =	wrdreg $0xA  }
0xc0: {  	_ =	task.clear_ibuf [dreg:s22], $0x5FFFF;
	_ =	strace $0x90000049  }
0xc1: {  	s29 =	simm.s32 $0xA;
	_ =	strace $0x8000004B  }
0xc2: {  	_ =	swait.ge [sflag:s29], $0x1  }
0xc3: {  	[sflag:s29] =	ssyncadd.s32 $0xFFFFFFFF  }
0xc4: {  	_ =	strace $0x9000004B  }
0xc5: {  	_ =	sfence  }
0xc6: {  	s30 =	sld [smem:$0x0];
	_ =	sdelay $0x2  }
0xc7: {  	s31 =	sshll.u32 s1, $0xD;
	s1 =	sshrl.u32 s1, $0x2  }
0xc8: {  	s4 =	sand.u32 $0x4000, s31;
	s1 =	sadd.s32 s1, s30  }
0xc9: {  	s0 =	sor.u32 s4, s0;
	s1 =	sshll.u32 s1, $0x11  }
0xca: {  	s0 =	sor.u32 s1, s0  }
0xcb: {  	s0 =	sadd.s32 $0x8F2B, s0  }
0xcc: {  	[sflag:s0] =	ssyncadd.remote.s32 $0x1  }
0xcd: {  	_ =	sfence.sel $0xFFFF  }
0xce: {  	[dreg:$0x0] =	wrdreg $0xFFFFFFFF;
	(pc) =	sbr.abs _section_cstart, $3  }
0xcf: {  	[dreg:$0x1] =	wrdreg $0xFFFFFFFF  }
0xd0: {  	_ =	task.clear_ibuf [dreg:s22], $0x2FFFF;
	_ =	strace $0x9FFFFFFF  }
0xd1: {  	(tm) =	ssettm $0x7FFFFFFF  }
tec
execute0_lowered:
.L_overlay_start_1:
0x0: {  	(tag) =	ssettag $0x1  }
0x1: {  	s5 =	rddreg [dreg:$0x0]  }
0x2: {  	s1 =	rddreg [dreg:$0x1]  }
0x3: {  	s0 =	rddreg [dreg:$0x2];
	s2 =	simm.s32 $0x0  }
0x4: {  	s3 =	srdreg.scid;
	s23 =	simm.s32 $0x14040;
	s24 =	simm.s32 $0x80  }
0x5: {  	s25 =	simm.s32 $0x0;
	s6 =	sand.u32 $0x1, s3;
	s3 =	stileid.u32  }
0x6: {  	[smem:$0x7FF] =	sst s2;
	s4 =	sadd.s32 $0x15A00, s5;
	s8 =	smul.u32 $0x50000, s3  }
0x7: {  	s20 =	sadd.s32 $0x74A00, s5;
	s7 =	sshll.u32 s6, $0x4;
	s18 =	smul.u32 $0x140000, s6  }
0x8: {  	s9 =	ssub.s32 $0x2, s6;
	s17 =	smul.u32 $0x14000, s3;
	s7 =	sor.u32 s3, s7  }
0x9: {  	_ =	strace $0x8000004A;
	s29 =	sshrl.u32 s9, $0x1;
	s5 =	smul.u32 $0x1400, s7  }
0xa: {  	s8 =	sshrl.u32 s8, $0x2;
	s7 =	ssub.s32 s9, s29;
	s12 =	sadd.s32 s18, s17  }
0xb: {  	s13 =	sadd.s32 $0x4000, s17;
	s15 =	sadd.s32 $0x8000, s17;
	s19 =	sadd.s32 $0xC000, s17  }
0xc: {  	s22 =	sadd.s32 $0x10000, s17;
	s6 =	sadd.s32 s8, s1;
	s7 =	smax.u32 s7, $0x1  }
0xd: {  	s12 =	sshrl.u32 s12, $0x3;
	s14 =	sadd.s32 s18, s13;
	s13 =	sadd.s32 s13, s1  }
0xe: {  	s16 =	sadd.s32 s18, s15;
	s15 =	sadd.s32 s15, s1;
	s21 =	sadd.s32 s18, s19  }
0xf: {  	s17 =	sadd.s32 s19, s1;
	s31 =	sadd.s32 s18, s22;
	s19 =	sadd.s32 s22, s1  }
0x10: {  	s22 =	simm.s32 $0x1;
	s8 =	sadd.s32 $0x4000, s6;
	s9 =	sadd.s32 $0x8000, s6  }
0x11: {  	s10 =	sadd.s32 $0xC000, s6;
	s11 =	sadd.s32 $0x10000, s6;
	s12 =	sadd.s32 s20, s12  }
0x12: {  	s14 =	sshrl.u32 s14, $0x3;
	s16 =	sshrl.u32 s16, $0x3;
	s30 =	sshrl.u32 s21, $0x3  }
0x13: {  	s21 =	sshrl.u32 s31, $0x3;
	s14 =	sadd.s32 s20, s14;
	s16 =	sadd.s32 s20, s16  }
0x14: {  	v0 =	vimm.f32 $0.0e+00;
	v1 =	vimm.f32 $1.000000000e+00;
	s18 =	sadd.s32 s20, s30;
	s20 =	sadd.s32 s20, s21;
	s21 =	simm.s32 $0x140C0  }
.LBB2_1:
0x15: {  	s26 =	simm.s32 $0x0;
	s28 =	simm.s32 $0x200  }
.LBB2_2:
0x16: {  	p0 =	sne.s32 s28, $0xFE00;
	[tilespmem:s26+$0x14130] =	vst v0  }
0x17: {  	[tilespmem:s26+$0x140C0] =	vst v0  }
0x18: {  	[tilespmem:s26+$0x140D0] =	vst v0  }
.Ltmp0:
0x19: {  	[tilespmem:s26+$0x140E0] =	vst v0;
	(pc) =	sbr.rel @p0 .LBB2_2-.Ltmp0, $4  }
0x1a: {  	[tilespmem:s26+$0x140F0] =	vst v0  }
0x1b: {  	[tilespmem:s26+$0x14100] =	vst v0  }
0x1c: {  	[tilespmem:s26+$0x14110] =	vst v0  }
0x1d: {  	[tilespmem:s26+$0x14120] =	vst v0;
	s26 =	sshra.s32 s28, $0x2;
	s28 =	sadd.s32 $0x200, s28  }
0x1e: {  	[tilespmem:s26+$0x14130] =	vst v0  }
0x1f: {  	[tilespmem:s26+$0x140C0] =	vst v0  }
0x20: {  	[tilespmem:s26+$0x140D0] =	vst v0  }
0x21: {  	[tilespmem:s26+$0x140E0] =	vst v0  }
0x22: {  	[tilespmem:s26+$0x140F0] =	vst v0  }
0x23: {  	[tilespmem:s26+$0x14100] =	vst v0  }
0x24: {  	[tilespmem:s26+$0x14110] =	vst v0  }
0x25: {  	[tilespmem:s26+$0x14120] =	vst v0  }
0x26: {  	[spmem:s6] =	stream.linear.scatter [tilespmem:s21], [sflag:$0x1], $0x4000, $0x38;
	[tilespmem:$0x180C0] =	vst v63  }
0x27: {  	_ =	swait.ge [sflag:s22], $0x4000  }
0x28: {  	[sflag:s22] =	ssyncset.done $0x0  }
0x29: {  	[sflag:s22] =	ssyncadd.s32 $0xFFFFC000  }
0x2a: {  	[spmem:s8] =	stream.linear.scatter [tilespmem:s21], [sflag:$0x1], $0x4000, $0x38;
	[tilespmem:$0x180C0] =	vst v63  }
0x2b: {  	_ =	swait.ge [sflag:s22], $0x4000  }
0x2c: {  	[sflag:s22] =	ssyncset.done $0x0  }
0x2d: {  	[sflag:s22] =	ssyncadd.s32 $0xFFFFC000  }
0x2e: {  	[spmem:s9] =	stream.linear.scatter [tilespmem:s21], [sflag:$0x1], $0x4000, $0x38;
	[tilespmem:$0x180C0] =	vst v63  }
0x2f: {  	_ =	swait.ge [sflag:s22], $0x4000  }
0x30: {  	[sflag:s22] =	ssyncset.done $0x0  }
0x31: {  	[sflag:s22] =	ssyncadd.s32 $0xFFFFC000  }
0x32: {  	[spmem:s10] =	stream.linear.scatter [tilespmem:s21], [sflag:$0x1], $0x4000, $0x38;
	[tilespmem:$0x180C0] =	vst v63  }
0x33: {  	_ =	swait.ge [sflag:s22], $0x4000  }
0x34: {  	[sflag:s22] =	ssyncset.done $0x0  }
0x35: {  	[sflag:s22] =	ssyncadd.s32 $0xFFFFC000  }
0x36: {  	[spmem:s11] =	stream.linear.scatter [tilespmem:s21], [sflag:$0x1], $0x4000, $0x38;
	[tilespmem:$0x180C0] =	vst v63  }
0x37: {  	_ =	swait.ge [sflag:s22], $0x4000  }
0x38: {  	[sflag:s22] =	ssyncset.done $0x0  }
0x39: {  	s26 =	simm.s32 $0x0;
	s28 =	simm.s32 $0x200;
	[sflag:s22] =	ssyncadd.s32 $0xFFFFC000  }
.LBB2_4:
0x3a: {  	p0 =	sne.s32 s28, $0xFE00;
	[tilespmem:s26+$0x14130] =	vst v1  }
0x3b: {  	[tilespmem:s26+$0x140C0] =	vst v1  }
0x3c: {  	[tilespmem:s26+$0x140D0] =	vst v1  }
.Ltmp1:
0x3d: {  	[tilespmem:s26+$0x140E0] =	vst v1;
	(pc) =	sbr.rel @p0 .LBB2_4-.Ltmp1, $4  }
0x3e: {  	[tilespmem:s26+$0x140F0] =	vst v1  }
0x3f: {  	[tilespmem:s26+$0x14100] =	vst v1  }
0x40: {  	[tilespmem:s26+$0x14110] =	vst v1  }
0x41: {  	[tilespmem:s26+$0x14120] =	vst v1;
	s26 =	sshra.s32 s28, $0x2;
	s28 =	sadd.s32 $0x200, s28  }
0x42: {  	[tilespmem:s26+$0x14130] =	vst v1  }
0x43: {  	[tilespmem:s26+$0x140C0] =	vst v1  }
0x44: {  	[tilespmem:s26+$0x140D0] =	vst v1  }
0x45: {  	[tilespmem:s26+$0x140E0] =	vst v1;
	s28 =	simm.s32 $0x0  }
0x46: {  	[tilespmem:s26+$0x140F0] =	vst v1;
	s29 =	sand.u32 $0x1C00, s28  }
0x47: {  	[tilespmem:s26+$0x14100] =	vst v1;
	s28 =	sand.u32 $0x380, s28;
	s29 =	sadd.s32 s5, s29  }
0x48: {  	[tilespmem:s26+$0x14110] =	vst v1;
	s28 =	sor.u32 s28, s29  }
0x49: {  	[tilespmem:s26+$0x14120] =	vst v1;
	s29 =	sshrl.u32 s28, $0x3  }
0x4a: {  	[bflag:$0x0] =	sbarrier.arrive $0xFFFF;
	s26 =	sadd.s32 s4, s29  }
0x4b: {  	[tilespmem:s23], [sflag:$0x1] =	stream.linear.gather [hbm4b:s26+s2], $0x80, $0x38;
	[tilespmem:$0x180C0] =	vst v63  }
0x4c: {  	_ =	swait.ge [sflag:s22], $0x80  }
0x4d: {  	s30 =	simm.s32 $0x80;
	[sflag:s22] =	ssyncset.done $0x0  }
0x4e: {  	s28 =	sand.u32 $0x1C00, s30;
	[sflag:s22] =	ssyncadd.s32 $0xFFFFFF80  }
0x4f: {  	[spmem:s1] =	stream.indirect.scatter.add.f32 [tilespmem:s21], [sflag:$0x1], $0x80, s23, s24, $0xb8;
	[tilespmem:$0x180C0] =	vst v63  }
0x50: {  	s31 =	sand.u32 $0x380, s30;
	s28 =	sadd.s32 s5, s28;
	_ =	swait.ge [sflag:s22], $0x4000  }
0x51: {  	s26 =	simm.s32 $0x100;
	s28 =	sor.u32 s31, s28;
	[sflag:s22] =	ssyncset.done $0x0  }
.LBB2_6:
0x52: {  	s28 =	sshrl.u32 s28, $0x3  }
0x53: {  	[sflag:s22] =	ssyncadd.s32 $0xFFFFC000;
	s29 =	smov.u32 s26;
	s30 =	sadd.s32 $0x80, s26  }
0x54: {  	p0 =	sne.s32 s26, $0x1380;
	s26 =	sadd.s32 s4, s28  }
0x55: {  	[tilespmem:s23], [sflag:$0x1] =	stream.linear.gather [hbm4b:s26+s2], $0x80, $0x38;
	[tilespmem:$0x180C0] =	vst v63  }
0x56: {  	_ =	swait.ge [sflag:s22], $0x80  }
.Ltmp2:
0x57: {  	[sflag:s22] =	ssyncset.done $0x0;
	(pc) =	sbr.rel @p0 .LBB2_6-.Ltmp2, $4  }
0x58: {  	s26 =	sand.u32 $0x1C00, s29;
	[sflag:s22] =	ssyncadd.s32 $0xFFFFFF80  }
0x59: {  	[spmem:s1] =	stream.indirect.scatter.add.f32 [tilespmem:s21], [sflag:$0x1], $0x80, s23, s24, $0xb8;
	[tilespmem:$0x180C0] =	vst v63  }
0x5a: {  	s28 =	sand.u32 $0x380, s29;
	s26 =	sadd.s32 s5, s26;
	_ =	swait.ge [sflag:s22], $0x4000  }
0x5b: {  	s28 =	sor.u32 s28, s26;
	s26 =	smov.u32 s30;
	[sflag:s22] =	ssyncset.done $0x0  }
0x5c: {  	s26 =	sshrl.u32 s28, $0x3  }
0x5d: {  	[sflag:s22] =	ssyncadd.s32 $0xFFFFC000;
	s26 =	sadd.s32 s4, s26  }
0x5e: {  	[tilespmem:s23], [sflag:$0x1] =	stream.linear.gather [hbm4b:s26+s2], $0x80, $0x38;
	[tilespmem:$0x180C0] =	vst v63  }
0x5f: {  	_ =	swait.ge [sflag:s22], $0x80  }
0x60: {  	[sflag:s22] =	ssyncset.done $0x0  }
0x61: {  	[sflag:s22] =	ssyncadd.s32 $0xFFFFFF80  }
0x62: {  	[spmem:s1] =	stream.indirect.scatter.add.f32 [tilespmem:s21], [sflag:$0x1], $0x80, s23, s24, $0xb8;
	[tilespmem:$0x180C0] =	vst v63  }
0x63: {  	_ =	swait.ge [sflag:s22], $0x4000  }
0x64: {  	[sflag:s22] =	ssyncset.done $0x0  }
0x65: {  	[sflag:s22] =	ssyncadd.s32 $0xFFFFC000  }
0x66: {  	[bflag:$0x0] =	sbarrier.arrive $0xFFFF  }
0x67: {  	[tilespmem:s21], [sflag:$0x1] =	stream.linear.gather [spmem:s6], $0x4000, $0x38;
	[tilespmem:$0x180C0] =	vst v63  }
0x68: {  	_ =	swait.ge [sflag:s22], $0x4000  }
0x69: {  	[sflag:s22] =	ssyncset.done $0x0  }
0x6a: {  	[sflag:s22] =	ssyncadd.s32 $0xFFFFC000  }
0x6b: {  	[hbm4b:s12+s2] =	stream.linear.scatter [tilespmem:s21], [sflag:$0x1], $0x4000, $0x38;
	[tilespmem:$0x180C0] =	vst v63  }
0x6c: {  	_ =	swait.ge [sflag:s22], $0x4000  }
0x6d: {  	[sflag:s22] =	ssyncset.done $0x0  }
0x6e: {  	[sflag:s22] =	ssyncadd.s32 $0xFFFFC000  }
0x6f: {  	[tilespmem:s21], [sflag:$0x1] =	stream.linear.gather [spmem:s13], $0x4000, $0x38;
	[tilespmem:$0x180C0] =	vst v63  }
0x70: {  	_ =	swait.ge [sflag:s22], $0x4000  }
0x71: {  	[sflag:s22] =	ssyncset.done $0x0  }
0x72: {  	[sflag:s22] =	ssyncadd.s32 $0xFFFFC000  }
0x73: {  	[hbm4b:s14+s2] =	stream.linear.scatter [tilespmem:s21], [sflag:$0x1], $0x4000, $0x38;
	[tilespmem:$0x180C0] =	vst v63  }
0x74: {  	_ =	swait.ge [sflag:s22], $0x4000  }
0x75: {  	[sflag:s22] =	ssyncset.done $0x0  }
0x76: {  	[sflag:s22] =	ssyncadd.s32 $0xFFFFC000  }
0x77: {  	[tilespmem:s21], [sflag:$0x1] =	stream.linear.gather [spmem:s15], $0x4000, $0x38;
	[tilespmem:$0x180C0] =	vst v63  }
0x78: {  	_ =	swait.ge [sflag:s22], $0x4000  }
0x79: {  	[sflag:s22] =	ssyncset.done $0x0  }
0x7a: {  	[sflag:s22] =	ssyncadd.s32 $0xFFFFC000  }
0x7b: {  	[hbm4b:s16+s2] =	stream.linear.scatter [tilespmem:s21], [sflag:$0x1], $0x4000, $0x38;
	[tilespmem:$0x180C0] =	vst v63  }
0x7c: {  	_ =	swait.ge [sflag:s22], $0x4000  }
0x7d: {  	[sflag:s22] =	ssyncset.done $0x0  }
0x7e: {  	[sflag:s22] =	ssyncadd.s32 $0xFFFFC000  }
0x7f: {  	[tilespmem:s21], [sflag:$0x1] =	stream.linear.gather [spmem:s17], $0x4000, $0x38;
	[tilespmem:$0x180C0] =	vst v63  }
0x80: {  	_ =	swait.ge [sflag:s22], $0x4000  }
0x81: {  	[sflag:s22] =	ssyncset.done $0x0  }
0x82: {  	[sflag:s22] =	ssyncadd.s32 $0xFFFFC000  }
0x83: {  	[hbm4b:s18+s2] =	stream.linear.scatter [tilespmem:s21], [sflag:$0x1], $0x4000, $0x38;
	[tilespmem:$0x180C0] =	vst v63  }
0x84: {  	_ =	swait.ge [sflag:s22], $0x4000  }
0x85: {  	[sflag:s22] =	ssyncset.done $0x0  }
0x86: {  	[sflag:s22] =	ssyncadd.s32 $0xFFFFC000  }
0x87: {  	[tilespmem:s21], [sflag:$0x1] =	stream.linear.gather [spmem:s19], $0x4000, $0x38;
	[tilespmem:$0x180C0] =	vst v63  }
0x88: {  	s25 =	sadd.s32 $0x1, s25;
	_ =	swait.ge [sflag:s22], $0x4000  }
0x89: {  	p0 =	sne.s32 s25, s7;
	[sflag:s22] =	ssyncset.done $0x0  }
.Ltmp3:
0x8a: {  	[sflag:s22] =	ssyncadd.s32 $0xFFFFC000;
	(pc) =	sbr.rel @p0 .LBB2_1-.Ltmp3, $4  }
0x8b: {  	[hbm4b:s20+s2] =	stream.linear.scatter [tilespmem:s21], [sflag:$0x1], $0x4000, $0x38;
	[tilespmem:$0x180C0] =	vst v63  }
0x8c: {  	_ =	swait.ge [sflag:s22], $0x4000  }
0x8d: {  	[sflag:s22] =	ssyncset.done $0x0  }
0x8e: {  	[sflag:s22] =	ssyncadd.s32 $0xFFFFC000  }
0x8f: {  	_ =	sfence.sel $0x180000  }
0x90: {  	[bflag:$0x0] =	sbarrier.arrive $0xFFFF  }
0x91: {  	p0 =	sne.s32 s3, $0x0;
	_ =	strace $0x9000004A  }
0x92: {  	s0 =	sadd.s32 @!p0 $0x100000, s0;
	[bflag:$0x2] =	sbarrier.arrive $0xFFFF  }
0x93: {  	[sflag:s0] =	ssyncadd.tile.s32 @!p0 $0x1;
	_ =	shalt  }
.Lfunc_end2:
_tile_overlayer_lowered:
.L_overlay_start_2:
0x94: {  	(tag) =	ssettag $0x2  }
0x95: {  	s0 =	rddreg [dreg:$0x0];
	s2 =	stileid.u32  }
0x96: {  	s1 =	rddreg [dreg:$0x1];
	p0 =	sne.s32 s2, $0x0  }
0x97: {  	s3 =	rddreg [dreg:$0x2];
	[bflag:$0x3] =	sbarrier.arrive $0xFFFF;
	s2 =	simm.s32 @!p0 $0x1C01  }
0x98: {  	[timem:s3], [sflag:s2] =	dma.local @!p0 [hbm:s0], s1  }
0x99: {  	s0 =	simm.s32 @!p0 $0x1  }
0x9a: {  	_ =	swait.ge @!p0 [sflag:s0], s1  }
0x9b: {  	s1 =	ssub.s32 @!p0 $0x0, s1;
	[sflag:s0] =	ssyncset.done @!p0 $0x0  }
0x9c: {  	[sflag:s0] =	ssyncadd.s32 @!p0 s1  }
0x9d: {  	[bflag:$0x3] =	sbarrier.arrive $0xFFFF  }
0x9e: {  	_ =	shalt  }

</sc_bundles>
